<compile_context>
chip_gen: v7x
topology: tpu7x:2x2x1
jax: 0.10.2.dev20260603
libtpu: 0.0.44.dev20260713+nightly
codegen_flags: <defaults>
</compile_context>

<pallas_src>
import functools

import jax
import jax.numpy as jnp
from jax import lax
from jax.experimental import pallas as pl
from jax.experimental.pallas import tpu as pltpu
from jax.experimental.pallas import tpu_sc as plsc

_D = 256
_K = 8192
_BM = 2048
_SEG = 2816
_KPAD = 3 * _SEG
_BETA = 0.25


def _bf16_round(x):
    return x.astype(jnp.bfloat16).astype(jnp.float32)


def _dist_argmin_body(e_ref, x_ref, x2_ref, e2_ref, idx_ref, loss_ref,
                      run_val, fin_arg, fin_min):
    m = pl.program_id(0)
    kb = pl.program_id(1)
    dot = lax.dot_general(e_ref[...], x_ref[...], (((1,), (1,)), ((), ())),
                          preferred_element_type=jnp.float32)
    d = (x2_ref[...] + dot) + e2_ref[...]
    lmin = jnp.min(d, axis=0)
    col = lax.broadcasted_iota(jnp.int32, d.shape, 0)
    larg = jnp.min(jnp.where(d == lmin[None, :], col, jnp.int32(2**30)),
                   axis=0) + kb * _SEG

    @pl.when(kb == 0)
    def _():
        run_val[0, :] = _bf16_round(lmin)
        fin_arg[0, :] = larg
        fin_min[0, :] = lmin

    @pl.when(kb > 0)
    def _():
        take = lmin < run_val[0, :]
        fin_arg[0, :] = jnp.where(take, larg, fin_arg[0, :])
        fin_min[0, :] = jnp.where(take, lmin, fin_min[0, :])
        run_val[0, :] = jnp.where(take, _bf16_round(lmin), run_val[0, :])

    @pl.when(kb == 2)
    def _():
        idx_ref[0, 0, :] = fin_arg[0, :]
        s = jnp.sum(fin_min[0, :]).reshape(1, 1)

        @pl.when(m == 0)
        def _():
            loss_ref[...] = s

        @pl.when(m > 0)
        def _():
            loss_ref[...] = loss_ref[...] + s


def _dist_argmin(xb, x2t, em2t, e2t):
    m_tot = xb.shape[0]
    nb = m_tot // _BM
    grid = (nb, 3)
    return pl.pallas_call(
        _dist_argmin_body,
        grid=grid,
        in_specs=[
            pl.BlockSpec((_SEG, _D), lambda m, k: (k, 0)),
            pl.BlockSpec((_BM, _D), lambda m, k: (m, 0)),
            pl.BlockSpec((1, _BM), lambda m, k: (0, m)),
            pl.BlockSpec((_SEG, 1), lambda m, k: (k, 0)),
        ],
        out_specs=[
            pl.BlockSpec((1, 1, _BM), lambda m, k: (m, 0, 0)),
            pl.BlockSpec((1, 1), lambda m, k: (0, 0)),
        ],
        out_shape=[
            jax.ShapeDtypeStruct((nb, 1, _BM), jnp.int32),
            jax.ShapeDtypeStruct((1, 1), jnp.float32),
        ],
        scratch_shapes=[
            pltpu.VMEM((1, _BM), jnp.float32),
            pltpu.VMEM((1, _BM), jnp.int32),
            pltpu.VMEM((1, _BM), jnp.float32),
        ],
        compiler_params=pltpu.CompilerParams(
            dimension_semantics=("parallel", "arbitrary")),
    )(em2t, xb, x2t, e2t)


def _make_gather(b_tot):
    info = plsc.get_sparse_core_info()
    nc, ns = info.num_cores, info.num_subcores
    nw = nc * ns
    b_per_w = b_tot // nw
    ch = 128
    n_ch = b_per_w // ch
    mesh = plsc.VectorSubcoreMesh(core_axis_name="c", subcore_axis_name="s")

    @functools.partial(
        pl.kernel, mesh=mesh,
        out_type=jax.ShapeDtypeStruct((b_tot, _D), jnp.float32),
        scratch_types=[
            pltpu.VMEM((ch,), jnp.int32),
            pltpu.VMEM((ch, _D), jnp.float32),
            pltpu.SemaphoreType.DMA,
        ],
    )
    def gather_k(table_hbm, idx_hbm, out_hbm, idx_v, rows_v, sem):
        wid = lax.axis_index("s") * nc + lax.axis_index("c")
        for c in range(n_ch):
            base = wid * b_per_w + c * ch
            pltpu.sync_copy(idx_hbm.at[pl.ds(base, ch)], idx_v)
            pltpu.async_copy(table_hbm.at[idx_v], rows_v, sem).wait()
            pltpu.sync_copy(rows_v, out_hbm.at[pl.ds(base, ch)])

    return gather_k


def kernel(inputs, embeddings):
    flat = inputs.reshape(-1, _D)
    m_tot = flat.shape[0]
    x2 = jnp.sum(flat ** 2, axis=1, keepdims=True)
    e2 = jnp.sum(embeddings ** 2, axis=0, keepdims=True)
    pad = _KPAD - _K
    table = embeddings.T
    em2t = jnp.pad((-2.0 * table).astype(jnp.bfloat16), ((0, pad), (0, 0)))
    e2t = jnp.pad(e2.T, ((0, pad), (0, 0)), constant_values=1e30)
    xb = flat.astype(jnp.bfloat16)
    idx, loss_sum = _dist_argmin(xb, x2.T, em2t, e2t)
    idx = idx.reshape(-1)
    quant = _make_gather(m_tot)(table, idx)
    loss = loss_sum[0, 0] * ((1.0 + _BETA) / (m_tot * _D))
    return (quant.reshape(inputs.shape), loss,
            idx.reshape(inputs.shape[:-1]))

# --- scband reference (transcript-rebuilt; emitter-appended) ---
"""Pipeline reference for scband-quantize-90787018703333 (READ-ONLY COPY).

The authoritative reference and input builder live on the scoring server;
editing this copy changes nothing except your own understanding.
"""

import jax, jax.numpy as jnp
import numpy as np

EMBEDDING_DIM = 256
NUM_EMBEDDINGS = 8192
BETA = 0.25


def setup_inputs(seed: int = 0) -> dict:
    key = jax.random.key(seed)
    k1, k2 = jax.random.split(key)
    inputs = jax.random.normal(k1, (16, 1024, EMBEDDING_DIM), dtype=jnp.float32)
    rand_range = 1.0 / NUM_EMBEDDINGS
    embeddings = jax.random.uniform(
        k2, (EMBEDDING_DIM, NUM_EMBEDDINGS), minval=-rand_range, maxval=rand_range,
        dtype=jnp.float32)
    return {"inputs": inputs, "embeddings": embeddings}


def reference(inputs, embeddings):
    flat_inputs = inputs.reshape(-1, EMBEDDING_DIM)
    distances = (jnp.sum(flat_inputs ** 2, axis=1, keepdims=True)
                 - 2.0 * (flat_inputs @ embeddings)
                 + jnp.sum(embeddings ** 2, axis=0, keepdims=True))
    encoding_indices = jnp.argmax(-distances, axis=1)
    encoding_indices = encoding_indices.reshape(inputs.shape[:-1])
    w = embeddings.T  # [K, D]
    quantized = jnp.take(w, encoding_indices, axis=0)
    e_latent_loss = jnp.mean((jax.lax.stop_gradient(quantized) - inputs) ** 2)
    q_latent_loss = jnp.mean((quantized - jax.lax.stop_gradient(inputs)) ** 2)
    loss = e_latent_loss + q_latent_loss * BETA
    quantized = inputs + jax.lax.stop_gradient(quantized - inputs)
    return (quantized, loss, encoding_indices)

if __name__ == "__main__":
    import jax
    _d = setup_inputs()
    print(jax.jit(kernel)(*tuple(_d.values())))

</pallas_src>

<mosaic_0001>
#map = affine_map<(d0, d1) -> (0, 0)>
#map1 = affine_map<(d0, d1) -> (0)>
module attributes {stable_mosaic.version = 14 : i64} {
  func.func @gather_k(%arg0: i32, %arg1: i32, %arg2: memref<8192x256xf32, #tpu.memory_space<hbm>>, %arg3: memref<16384xi32, #tpu.memory_space<hbm>>, %arg4: memref<16384x256xf32, #tpu.memory_space<hbm>>, %arg5: memref<128xi32, #tpu.memory_space<vmem>>, %arg6: memref<128x256xf32, #tpu.memory_space<vmem>>, %arg7: memref<!tpu.dma_semaphore, #tpu.memory_space<semaphore_mem>>) attributes {dimension_semantics = [#tpu.dimension_semantics<core_parallel>, #tpu.dimension_semantics<subcore_parallel>], iteration_bounds = array<i64: 2, 16>, scalar_prefetch = 0 : i64, scratch_operands = 3 : i64, tpu.core_type = #tpu.core_type<sc_vector_subcore>, window_params = [{transform_indices = #map}, {transform_indices = #map1}, {transform_indices = #map}]} {
    %mul3A = arith.constant 2 : i32
    %mul3A_0 = arith.muli %arg1, %mul3A : i32
    %add3A = arith.addi %mul3A_0, %arg0 : i32
    %mul3A_1 = arith.constant 512 : i32
    %mul3A_2 = arith.muli %add3A, %mul3A_1 : i32
    %add3A_3 = arith.constant 0 : i32
    %add3A_4 = arith.addi %mul3A_2, %add3A_3 : i32
    "tpu.region"() ({
      %run_scoped3A = tpu.sem_alloc : memref<!tpu.dma_semaphore, #tpu.memory_space<semaphore_mem>>
      %dma_start3A_39 = tpu.memref_slice %arg3[%add3A_4] : memref<16384xi32, #tpu.memory_space<hbm>> -> memref<128xi32, #tpu.memory_space<hbm>>
      %dma_start3A_40 = tpu.memref_slice %arg3[%add3A_4] : memref<16384xi32, #tpu.memory_space<hbm>> -> memref<128xi32, #tpu.memory_space<hbm>>
      tpu.enqueue_dma source(%dma_start3A_40 : memref<128xi32, #tpu.memory_space<hbm>>) target(%arg5 : memref<128xi32, #tpu.memory_space<vmem>>) target_semaphore(%run_scoped3A : memref<!tpu.dma_semaphore, #tpu.memory_space<semaphore_mem>>)
      %dma_wait3A_41 = tpu.memref_slice %arg3[%add3A_4] : memref<16384xi32, #tpu.memory_space<hbm>> -> memref<128xi32, #tpu.memory_space<hbm>>
      %dma_wait3A_42 = tpu.memref_slice %arg3[%add3A_4] : memref<16384xi32, #tpu.memory_space<hbm>> -> memref<128xi32, #tpu.memory_space<hbm>>
      tpu.wait_dma2 semaphore(%run_scoped3A : memref<!tpu.dma_semaphore, #tpu.memory_space<semaphore_mem>>) src(%dma_wait3A_42 : memref<128xi32, #tpu.memory_space<hbm>>) dst(%arg5 : memref<128xi32, #tpu.memory_space<vmem>>)
      tpu.yield
    }) : () -> ()
    %dma_start3A = arith.constant 0 : i32
    %dma_start3A_5 = arith.constant 0 : i32
    %dma_start3A_6 = tpu.memref_slice %arg2[%dma_start3A, %dma_start3A_5] : memref<8192x256xf32, #tpu.memory_space<hbm>> -> memref<8192x256xf32, #tpu.memory_space<hbm>>
    tpu.enqueue_indirect_dma source(%dma_start3A_6 : memref<8192x256xf32, #tpu.memory_space<hbm>>) target(%arg6 : memref<128x256xf32, #tpu.memory_space<vmem>>) offsets(%arg5 : memref<128xi32, #tpu.memory_space<vmem>>) semaphore(%arg7 : memref<!tpu.dma_semaphore, #tpu.memory_space<semaphore_mem>>)
    %dma_wait3A = arith.constant 0 : i32
    %dma_wait3A_7 = arith.constant 0 : i32
    %dma_wait3A_8 = tpu.memref_slice %arg2[%dma_wait3A, %dma_wait3A_7] : memref<8192x256xf32, #tpu.memory_space<hbm>> -> memref<8192x256xf32, #tpu.memory_space<hbm>>
    tpu.wait_indirect_dma semaphore(%arg7 : memref<!tpu.dma_semaphore, #tpu.memory_space<semaphore_mem>>) src(%dma_wait3A_8 : memref<8192x256xf32, #tpu.memory_space<hbm>>) dst(%arg6 : memref<128x256xf32, #tpu.memory_space<vmem>>)
    "tpu.region"() ({
      %run_scoped3A = tpu.sem_alloc : memref<!tpu.dma_semaphore, #tpu.memory_space<semaphore_mem>>
      %dma_start3A_39 = arith.constant 0 : i32
      %dma_start3A_40 = tpu.memref_slice %arg4[%add3A_4, %dma_start3A_39] : memref<16384x256xf32, #tpu.memory_space<hbm>> -> memref<128x256xf32, #tpu.memory_space<hbm>>
      %dma_start3A_41 = arith.constant 0 : i32
      %dma_start3A_42 = tpu.memref_slice %arg4[%add3A_4, %dma_start3A_41] : memref<16384x256xf32, #tpu.memory_space<hbm>> -> memref<128x256xf32, #tpu.memory_space<hbm>>
      tpu.enqueue_dma source(%arg6 : memref<128x256xf32, #tpu.memory_space<vmem>>) target(%dma_start3A_42 : memref<128x256xf32, #tpu.memory_space<hbm>>) target_semaphore(%run_scoped3A : memref<!tpu.dma_semaphore, #tpu.memory_space<semaphore_mem>>)
      %dma_wait3A_43 = arith.constant 0 : i32
      %dma_wait3A_44 = tpu.memref_slice %arg4[%add3A_4, %dma_wait3A_43] : memref<16384x256xf32, #tpu.memory_space<hbm>> -> memref<128x256xf32, #tpu.memory_space<hbm>>
      %dma_wait3A_45 = arith.constant 0 : i32
      %dma_wait3A_46 = tpu.memref_slice %arg4[%add3A_4, %dma_wait3A_45] : memref<16384x256xf32, #tpu.memory_space<hbm>> -> memref<128x256xf32, #tpu.memory_space<hbm>>
      tpu.wait_dma2 semaphore(%run_scoped3A : memref<!tpu.dma_semaphore, #tpu.memory_space<semaphore_mem>>) src(%arg6 : memref<128x256xf32, #tpu.memory_space<vmem>>) dst(%dma_wait3A_46 : memref<128x256xf32, #tpu.memory_space<hbm>>)
      tpu.yield
    }) : () -> ()
    %mul3A_9 = arith.constant 512 : i32
    %mul3A_10 = arith.muli %add3A, %mul3A_9 : i32
    %add3A_11 = arith.constant 128 : i32
    %add3A_12 = arith.addi %mul3A_10, %add3A_11 : i32
    "tpu.region"() ({
      %run_scoped3A = tpu.sem_alloc : memref<!tpu.dma_semaphore, #tpu.memory_space<semaphore_mem>>
      %dma_start3A_39 = tpu.memref_slice %arg3[%add3A_12] : memref<16384xi32, #tpu.memory_space<hbm>> -> memref<128xi32, #tpu.memory_space<hbm>>
      %dma_start3A_40 = tpu.memref_slice %arg3[%add3A_12] : memref<16384xi32, #tpu.memory_space<hbm>> -> memref<128xi32, #tpu.memory_space<hbm>>
      tpu.enqueue_dma source(%dma_start3A_40 : memref<128xi32, #tpu.memory_space<hbm>>) target(%arg5 : memref<128xi32, #tpu.memory_space<vmem>>) target_semaphore(%run_scoped3A : memref<!tpu.dma_semaphore, #tpu.memory_space<semaphore_mem>>)
      %dma_wait3A_41 = tpu.memref_slice %arg3[%add3A_12] : memref<16384xi32, #tpu.memory_space<hbm>> -> memref<128xi32, #tpu.memory_space<hbm>>
      %dma_wait3A_42 = tpu.memref_slice %arg3[%add3A_12] : memref<16384xi32, #tpu.memory_space<hbm>> -> memref<128xi32, #tpu.memory_space<hbm>>
      tpu.wait_dma2 semaphore(%run_scoped3A : memref<!tpu.dma_semaphore, #tpu.memory_space<semaphore_mem>>) src(%dma_wait3A_42 : memref<128xi32, #tpu.memory_space<hbm>>) dst(%arg5 : memref<128xi32, #tpu.memory_space<vmem>>)
      tpu.yield
    }) : () -> ()
    %dma_start3A_13 = arith.constant 0 : i32
    %dma_start3A_14 = arith.constant 0 : i32
    %dma_start3A_15 = tpu.memref_slice %arg2[%dma_start3A_13, %dma_start3A_14] : memref<8192x256xf32, #tpu.memory_space<hbm>> -> memref<8192x256xf32, #tpu.memory_space<hbm>>
    tpu.enqueue_indirect_dma source(%dma_start3A_15 : memref<8192x256xf32, #tpu.memory_space<hbm>>) target(%arg6 : memref<128x256xf32, #tpu.memory_space<vmem>>) offsets(%arg5 : memref<128xi32, #tpu.memory_space<vmem>>) semaphore(%arg7 : memref<!tpu.dma_semaphore, #tpu.memory_space<semaphore_mem>>)
    %dma_wait3A_16 = arith.constant 0 : i32
    %dma_wait3A_17 = arith.constant 0 : i32
    %dma_wait3A_18 = tpu.memref_slice %arg2[%dma_wait3A_16, %dma_wait3A_17] : memref<8192x256xf32, #tpu.memory_space<hbm>> -> memref<8192x256xf32, #tpu.memory_space<hbm>>
    tpu.wait_indirect_dma semaphore(%arg7 : memref<!tpu.dma_semaphore, #tpu.memory_space<semaphore_mem>>) src(%dma_wait3A_18 : memref<8192x256xf32, #tpu.memory_space<hbm>>) dst(%arg6 : memref<128x256xf32, #tpu.memory_space<vmem>>)
    "tpu.region"() ({
      %run_scoped3A = tpu.sem_alloc : memref<!tpu.dma_semaphore, #tpu.memory_space<semaphore_mem>>
      %dma_start3A_39 = arith.constant 0 : i32
      %dma_start3A_40 = tpu.memref_slice %arg4[%add3A_12, %dma_start3A_39] : memref<16384x256xf32, #tpu.memory_space<hbm>> -> memref<128x256xf32, #tpu.memory_space<hbm>>
      %dma_start3A_41 = arith.constant 0 : i32
      %dma_start3A_42 = tpu.memref_slice %arg4[%add3A_12, %dma_start3A_41] : memref<16384x256xf32, #tpu.memory_space<hbm>> -> memref<128x256xf32, #tpu.memory_space<hbm>>
      tpu.enqueue_dma source(%arg6 : memref<128x256xf32, #tpu.memory_space<vmem>>) target(%dma_start3A_42 : memref<128x256xf32, #tpu.memory_space<hbm>>) target_semaphore(%run_scoped3A : memref<!tpu.dma_semaphore, #tpu.memory_space<semaphore_mem>>)
      %dma_wait3A_43 = arith.constant 0 : i32
      %dma_wait3A_44 = tpu.memref_slice %arg4[%add3A_12, %dma_wait3A_43] : memref<16384x256xf32, #tpu.memory_space<hbm>> -> memref<128x256xf32, #tpu.memory_space<hbm>>
      %dma_wait3A_45 = arith.constant 0 : i32
      %dma_wait3A_46 = tpu.memref_slice %arg4[%add3A_12, %dma_wait3A_45] : memref<16384x256xf32, #tpu.memory_space<hbm>> -> memref<128x256xf32, #tpu.memory_space<hbm>>
      tpu.wait_dma2 semaphore(%run_scoped3A : memref<!tpu.dma_semaphore, #tpu.memory_space<semaphore_mem>>) src(%arg6 : memref<128x256xf32, #tpu.memory_space<vmem>>) dst(%dma_wait3A_46 : memref<128x256xf32, #tpu.memory_space<hbm>>)
      tpu.yield
    }) : () -> ()
    %mul3A_19 = arith.constant 512 : i32
    %mul3A_20 = arith.muli %add3A, %mul3A_19 : i32
    %add3A_21 = arith.constant 256 : i32
    %add3A_22 = arith.addi %mul3A_20, %add3A_21 : i32
    "tpu.region"() ({
      %run_scoped3A = tpu.sem_alloc : memref<!tpu.dma_semaphore, #tpu.memory_space<semaphore_mem>>
      %dma_start3A_39 = tpu.memref_slice %arg3[%add3A_22] : memref<16384xi32, #tpu.memory_space<hbm>> -> memref<128xi32, #tpu.memory_space<hbm>>
      %dma_start3A_40 = tpu.memref_slice %arg3[%add3A_22] : memref<16384xi32, #tpu.memory_space<hbm>> -> memref<128xi32, #tpu.memory_space<hbm>>
      tpu.enqueue_dma source(%dma_start3A_40 : memref<128xi32, #tpu.memory_space<hbm>>) target(%arg5 : memref<128xi32, #tpu.memory_space<vmem>>) target_semaphore(%run_scoped3A : memref<!tpu.dma_semaphore, #tpu.memory_space<semaphore_mem>>)
      %dma_wait3A_41 = tpu.memref_slice %arg3[%add3A_22] : memref<16384xi32, #tpu.memory_space<hbm>> -> memref<128xi32, #tpu.memory_space<hbm>>
      %dma_wait3A_42 = tpu.memref_slice %arg3[%add3A_22] : memref<16384xi32, #tpu.memory_space<hbm>> -> memref<128xi32, #tpu.memory_space<hbm>>
      tpu.wait_dma2 semaphore(%run_scoped3A : memref<!tpu.dma_semaphore, #tpu.memory_space<semaphore_mem>>) src(%dma_wait3A_42 : memref<128xi32, #tpu.memory_space<hbm>>) dst(%arg5 : memref<128xi32, #tpu.memory_space<vmem>>)
      tpu.yield
    }) : () -> ()
    %dma_start3A_23 = arith.constant 0 : i32
    %dma_start3A_24 = arith.constant 0 : i32
    %dma_start3A_25 = tpu.memref_slice %arg2[%dma_start3A_23, %dma_start3A_24] : memref<8192x256xf32, #tpu.memory_space<hbm>> -> memref<8192x256xf32, #tpu.memory_space<hbm>>
    tpu.enqueue_indirect_dma source(%dma_start3A_25 : memref<8192x256xf32, #tpu.memory_space<hbm>>) target(%arg6 : memref<128x256xf32, #tpu.memory_space<vmem>>) offsets(%arg5 : memref<128xi32, #tpu.memory_space<vmem>>) semaphore(%arg7 : memref<!tpu.dma_semaphore, #tpu.memory_space<semaphore_mem>>)
    %dma_wait3A_26 = arith.constant 0 : i32
    %dma_wait3A_27 = arith.constant 0 : i32
    %dma_wait3A_28 = tpu.memref_slice %arg2[%dma_wait3A_26, %dma_wait3A_27] : memref<8192x256xf32, #tpu.memory_space<hbm>> -> memref<8192x256xf32, #tpu.memory_space<hbm>>
    tpu.wait_indirect_dma semaphore(%arg7 : memref<!tpu.dma_semaphore, #tpu.memory_space<semaphore_mem>>) src(%dma_wait3A_28 : memref<8192x256xf32, #tpu.memory_space<hbm>>) dst(%arg6 : memref<128x256xf32, #tpu.memory_space<vmem>>)
    "tpu.region"() ({
      %run_scoped3A = tpu.sem_alloc : memref<!tpu.dma_semaphore, #tpu.memory_space<semaphore_mem>>
      %dma_start3A_39 = arith.constant 0 : i32
      %dma_start3A_40 = tpu.memref_slice %arg4[%add3A_22, %dma_start3A_39] : memref<16384x256xf32, #tpu.memory_space<hbm>> -> memref<128x256xf32, #tpu.memory_space<hbm>>
      %dma_start3A_41 = arith.constant 0 : i32
      %dma_start3A_42 = tpu.memref_slice %arg4[%add3A_22, %dma_start3A_41] : memref<16384x256xf32, #tpu.memory_space<hbm>> -> memref<128x256xf32, #tpu.memory_space<hbm>>
      tpu.enqueue_dma source(%arg6 : memref<128x256xf32, #tpu.memory_space<vmem>>) target(%dma_start3A_42 : memref<128x256xf32, #tpu.memory_space<hbm>>) target_semaphore(%run_scoped3A : memref<!tpu.dma_semaphore, #tpu.memory_space<semaphore_mem>>)
      %dma_wait3A_43 = arith.constant 0 : i32
      %dma_wait3A_44 = tpu.memref_slice %arg4[%add3A_22, %dma_wait3A_43] : memref<16384x256xf32, #tpu.memory_space<hbm>> -> memref<128x256xf32, #tpu.memory_space<hbm>>
      %dma_wait3A_45 = arith.constant 0 : i32
      %dma_wait3A_46 = tpu.memref_slice %arg4[%add3A_22, %dma_wait3A_45] : memref<16384x256xf32, #tpu.memory_space<hbm>> -> memref<128x256xf32, #tpu.memory_space<hbm>>
      tpu.wait_dma2 semaphore(%run_scoped3A : memref<!tpu.dma_semaphore, #tpu.memory_space<semaphore_mem>>) src(%arg6 : memref<128x256xf32, #tpu.memory_space<vmem>>) dst(%dma_wait3A_46 : memref<128x256xf32, #tpu.memory_space<hbm>>)
      tpu.yield
    }) : () -> ()
    %mul3A_29 = arith.constant 512 : i32
    %mul3A_30 = arith.muli %add3A, %mul3A_29 : i32
    %add3A_31 = arith.constant 384 : i32
    %add3A_32 = arith.addi %mul3A_30, %add3A_31 : i32
    "tpu.region"() ({
      %run_scoped3A = tpu.sem_alloc : memref<!tpu.dma_semaphore, #tpu.memory_space<semaphore_mem>>
      %dma_start3A_39 = tpu.memref_slice %arg3[%add3A_32] : memref<16384xi32, #tpu.memory_space<hbm>> -> memref<128xi32, #tpu.memory_space<hbm>>
      %dma_start3A_40 = tpu.memref_slice %arg3[%add3A_32] : memref<16384xi32, #tpu.memory_space<hbm>> -> memref<128xi32, #tpu.memory_space<hbm>>
      tpu.enqueue_dma source(%dma_start3A_40 : memref<128xi32, #tpu.memory_space<hbm>>) target(%arg5 : memref<128xi32, #tpu.memory_space<vmem>>) target_semaphore(%run_scoped3A : memref<!tpu.dma_semaphore, #tpu.memory_space<semaphore_mem>>)
      %dma_wait3A_41 = tpu.memref_slice %arg3[%add3A_32] : memref<16384xi32, #tpu.memory_space<hbm>> -> memref<128xi32, #tpu.memory_space<hbm>>
      %dma_wait3A_42 = tpu.memref_slice %arg3[%add3A_32] : memref<16384xi32, #tpu.memory_space<hbm>> -> memref<128xi32, #tpu.memory_space<hbm>>
      tpu.wait_dma2 semaphore(%run_scoped3A : memref<!tpu.dma_semaphore, #tpu.memory_space<semaphore_mem>>) src(%dma_wait3A_42 : memref<128xi32, #tpu.memory_space<hbm>>) dst(%arg5 : memref<128xi32, #tpu.memory_space<vmem>>)
      tpu.yield
    }) : () -> ()
    %dma_start3A_33 = arith.constant 0 : i32
    %dma_start3A_34 = arith.constant 0 : i32
    %dma_start3A_35 = tpu.memref_slice %arg2[%dma_start3A_33, %dma_start3A_34] : memref<8192x256xf32, #tpu.memory_space<hbm>> -> memref<8192x256xf32, #tpu.memory_space<hbm>>
    tpu.enqueue_indirect_dma source(%dma_start3A_35 : memref<8192x256xf32, #tpu.memory_space<hbm>>) target(%arg6 : memref<128x256xf32, #tpu.memory_space<vmem>>) offsets(%arg5 : memref<128xi32, #tpu.memory_space<vmem>>) semaphore(%arg7 : memref<!tpu.dma_semaphore, #tpu.memory_space<semaphore_mem>>)
    %dma_wait3A_36 = arith.constant 0 : i32
    %dma_wait3A_37 = arith.constant 0 : i32
    %dma_wait3A_38 = tpu.memref_slice %arg2[%dma_wait3A_36, %dma_wait3A_37] : memref<8192x256xf32, #tpu.memory_space<hbm>> -> memref<8192x256xf32, #tpu.memory_space<hbm>>
    tpu.wait_indirect_dma semaphore(%arg7 : memref<!tpu.dma_semaphore, #tpu.memory_space<semaphore_mem>>) src(%dma_wait3A_38 : memref<8192x256xf32, #tpu.memory_space<hbm>>) dst(%arg6 : memref<128x256xf32, #tpu.memory_space<vmem>>)
    "tpu.region"() ({
      %run_scoped3A = tpu.sem_alloc : memref<!tpu.dma_semaphore, #tpu.memory_space<semaphore_mem>>
      %dma_start3A_39 = arith.constant 0 : i32
      %dma_start3A_40 = tpu.memref_slice %arg4[%add3A_32, %dma_start3A_39] : memref<16384x256xf32, #tpu.memory_space<hbm>> -> memref<128x256xf32, #tpu.memory_space<hbm>>
      %dma_start3A_41 = arith.constant 0 : i32
      %dma_start3A_42 = tpu.memref_slice %arg4[%add3A_32, %dma_start3A_41] : memref<16384x256xf32, #tpu.memory_space<hbm>> -> memref<128x256xf32, #tpu.memory_space<hbm>>
      tpu.enqueue_dma source(%arg6 : memref<128x256xf32, #tpu.memory_space<vmem>>) target(%dma_start3A_42 : memref<128x256xf32, #tpu.memory_space<hbm>>) target_semaphore(%run_scoped3A : memref<!tpu.dma_semaphore, #tpu.memory_space<semaphore_mem>>)
      %dma_wait3A_43 = arith.constant 0 : i32
      %dma_wait3A_44 = tpu.memref_slice %arg4[%add3A_32, %dma_wait3A_43] : memref<16384x256xf32, #tpu.memory_space<hbm>> -> memref<128x256xf32, #tpu.memory_space<hbm>>
      %dma_wait3A_45 = arith.constant 0 : i32
      %dma_wait3A_46 = tpu.memref_slice %arg4[%add3A_32, %dma_wait3A_45] : memref<16384x256xf32, #tpu.memory_space<hbm>> -> memref<128x256xf32, #tpu.memory_space<hbm>>
      tpu.wait_dma2 semaphore(%run_scoped3A : memref<!tpu.dma_semaphore, #tpu.memory_space<semaphore_mem>>) src(%arg6 : memref<128x256xf32, #tpu.memory_space<vmem>>) dst(%dma_wait3A_46 : memref<128x256xf32, #tpu.memory_space<hbm>>)
      tpu.yield
    }) : () -> ()
    return
  }
}

module attributes {stable_mosaic.version = 14 : i64} {
  func.func @_dist_argmin_body(%arg0: i32, %arg1: i32, %arg2: memref<2816x256xbf16, #tpu.memory_space<vmem>>, %arg3: memref<2048x256xbf16, #tpu.memory_space<vmem>>, %arg4: memref<1x2048xf32, #tpu.memory_space<vmem>>, %arg5: memref<2816x1xf32, #tpu.memory_space<vmem>>, %arg6: memref<1x1x2048xi32, #tpu.memory_space<vmem>>, %arg7: memref<1x1xf32, #tpu.memory_space<vmem>>, %arg8: memref<1x2048xf32, #tpu.memory_space<vmem>>, %arg9: memref<1x2048xi32, #tpu.memory_space<vmem>>, %arg10: memref<1x2048xf32, #tpu.memory_space<vmem>>) attributes {dimension_semantics = [#tpu.dimension_semantics<parallel>, #tpu.dimension_semantics<arbitrary>], iteration_bounds = array<i64: 8, 3>, scalar_prefetch = 0 : i64, scratch_operands = 3 : i64, tpu.core_type = #tpu.core_type<tc>, window_params = [{transform_indices = @transform_0, window_bounds = array<i64: 2816, 256>}, {transform_indices = @transform_1, window_bounds = array<i64: 2048, 256>}, {transform_indices = @transform_2, window_bounds = array<i64: 1, 2048>}, {transform_indices = @transform_3, window_bounds = array<i64: 2816, 1>}, {transform_indices = @transform_4, window_bounds = array<i64: 1, 1, 2048>}, {pipeline_mode = #tpu.pipeline_mode<synchronous>, transform_indices = @transform_5, window_bounds = array<i64: 1, 1>}]} {
    %get3A = arith.constant 0 : index
    %get3A_0 = arith.constant 0 : index
    %get3A_1 = vector.load %arg2[%get3A, %get3A_0] : memref<2816x256xbf16, #tpu.memory_space<vmem>>, vector<2816x256xbf16>
    %get3A_2 = arith.constant 0 : index
    %get3A_3 = arith.constant 0 : index
    %get3A_4 = vector.load %arg3[%get3A_2, %get3A_3] : memref<2048x256xbf16, #tpu.memory_space<vmem>>, vector<2048x256xbf16>
    %dot_general3A = arith.constant dense<0.000000e+00> : vector<2816x2048xf32>
    %dot_general3A_5 = tpu.matmul %get3A_1, %get3A_4, %dot_general3A {dimension_numbers = #tpu.dot_dimension_numbers<[1], [1], [0], [0], [0, 0, 1, 0], [], []>, transpose_lhs_hint = false} : vector<2816x256xbf16>, vector<2048x256xbf16>, vector<2816x2048xf32> -> vector<2816x2048xf32>
    %get3A_6 = arith.constant 0 : index
    %get3A_7 = arith.constant 0 : index
    %get3A_8 = vector.load %arg4[%get3A_6, %get3A_7] : memref<1x2048xf32, #tpu.memory_space<vmem>>, vector<1x2048xf32>
    %add3A = vector.broadcast %get3A_8 : vector<1x2048xf32> to vector<2816x2048xf32>
    %add3A_9 = arith.addf %add3A, %dot_general3A_5 : vector<2816x2048xf32>
    %get3A_10 = arith.constant 0 : index
    %get3A_11 = arith.constant 0 : index
    %get3A_12 = vector.load %arg5[%get3A_10, %get3A_11] : memref<2816x1xf32, #tpu.memory_space<vmem>>, vector<2816x1xf32>
    %add3A_13 = vector.broadcast %get3A_12 : vector<2816x1xf32> to vector<2816x2048xf32>
    %add3A_14 = arith.addf %add3A_9, %add3A_13 : vector<2816x2048xf32>
    %reduce_min3A = arith.constant dense<0x7F800000> : vector<2048xf32>
    %reduce_min3A_15 = vector.multi_reduction <minimumf>, %add3A_14, %reduce_min3A [0] : vector<2816x2048xf32> to vector<2048xf32>
    %iota3A = tpu.iota {dimensions = array<i32: 0>} : vector<2816x2048xi32>
    %broadcast_in_dim3A = vector.shape_cast %reduce_min3A_15 : vector<2048xf32> to vector<1x2048xf32>
    %eq3A = vector.broadcast %broadcast_in_dim3A : vector<1x2048xf32> to vector<2816x2048xf32>
    %eq3A_16 = arith.cmpf oeq, %add3A_14, %eq3A : vector<2816x2048xf32>
    %jit3A = arith.constant 1073741824 : i32
    %broadcast_in_dim3A_17 = vector.broadcast %jit3A : i32 to vector<2816x2048xi32>
    %select_n3A = arith.select %eq3A_16, %iota3A, %broadcast_in_dim3A_17 : vector<2816x2048xi1>, vector<2816x2048xi32>
    %reduce_min3A_18 = arith.constant dense<2147483647> : vector<2048xi32>
    %reduce_min3A_19 = vector.multi_reduction <minsi>, %select_n3A, %reduce_min3A_18 [0] : vector<2816x2048xi32> to vector<2048xi32>
    %mul3A = arith.constant 2816 : i32
    %mul3A_20 = arith.muli %arg1, %mul3A : i32
    %add3A_21 = vector.broadcast %mul3A_20 : i32 to vector<2048xi32>
    %add3A_22 = arith.addi %reduce_min3A_19, %add3A_21 : vector<2048xi32>
    %eq3A_23 = arith.constant 0 : i32
    %eq3A_24 = arith.cmpi eq, %arg1, %eq3A_23 : i32
    %convert_element_type3A = arith.extui %eq3A_24 : i1 to i32
    %cond3A = arith.constant 0 : i32
    %cond3A_25 = arith.cmpi ne, %convert_element_type3A, %cond3A : i32
    scf.if %cond3A_25 {
      %convert_element_type3A_35 = arith.truncf %reduce_min3A_15 : vector<2048xf32> to vector<2048xbf16>
      %convert_element_type3A_36 = arith.extf %convert_element_type3A_35 : vector<2048xbf16> to vector<2048xf32>
      %swap3A = arith.constant 0 : index
      %swap3A_37 = arith.constant 0 : index
      %swap3A_38 = vector.load %arg8[%swap3A, %swap3A_37] : memref<1x2048xf32, #tpu.memory_space<vmem>>, vector<1x2048xf32>
      %swap3A_39 = vector.shape_cast %swap3A_38 : vector<1x2048xf32> to vector<2048xf32>
      %swap3A_40 = vector.shape_cast %convert_element_type3A_36 : vector<2048xf32> to vector<1x2048xf32>
      tpu.vector_store %arg8[%swap3A, %swap3A_37], %swap3A_40 {strides = array<i32>} : memref<1x2048xf32, #tpu.memory_space<vmem>>, vector<1x2048xf32>,
      %swap3A_41 = arith.constant 0 : index
      %swap3A_42 = arith.constant 0 : index
      %swap3A_43 = vector.load %arg9[%swap3A_41, %swap3A_42] : memref<1x2048xi32, #tpu.memory_space<vmem>>, vector<1x2048xi32>
      %swap3A_44 = vector.shape_cast %swap3A_43 : vector<1x2048xi32> to vector<2048xi32>
      %swap3A_45 = vector.shape_cast %add3A_22 : vector<2048xi32> to vector<1x2048xi32>
      tpu.vector_store %arg9[%swap3A_41, %swap3A_42], %swap3A_45 {strides = array<i32>} : memref<1x2048xi32, #tpu.memory_space<vmem>>, vector<1x2048xi32>,
      %swap3A_46 = arith.constant 0 : index
      %swap3A_47 = arith.constant 0 : index
      %swap3A_48 = vector.load %arg10[%swap3A_46, %swap3A_47] : memref<1x2048xf32, #tpu.memory_space<vmem>>, vector<1x2048xf32>
      %swap3A_49 = vector.shape_cast %swap3A_48 : vector<1x2048xf32> to vector<2048xf32>
      %swap3A_50 = vector.shape_cast %reduce_min3A_15 : vector<2048xf32> to vector<1x2048xf32>
      tpu.vector_store %arg10[%swap3A_46, %swap3A_47], %swap3A_50 {strides = array<i32>} : memref<1x2048xf32, #tpu.memory_space<vmem>>, vector<1x2048xf32>,
    } else {
    }
    %gt3A = arith.constant 0 : i32
    %gt3A_26 = arith.cmpi sgt, %arg1, %gt3A : i32
    %convert_element_type3A_27 = arith.extui %gt3A_26 : i1 to i32
    %cond3A_28 = arith.constant 0 : i32
    %cond3A_29 = arith.cmpi ne, %convert_element_type3A_27, %cond3A_28 : i32
    scf.if %cond3A_29 {
      %get3A_35 = arith.constant 0 : index
      %get3A_36 = arith.constant 0 : index
      %get3A_37 = vector.load %arg8[%get3A_35, %get3A_36] : memref<1x2048xf32, #tpu.memory_space<vmem>>, vector<1x2048xf32>
      %get3A_38 = vector.shape_cast %get3A_37 : vector<1x2048xf32> to vector<2048xf32>
      %lt3A = arith.cmpf olt, %reduce_min3A_15, %get3A_38 : vector<2048xf32>
      %get3A_39 = arith.constant 0 : index
      %get3A_40 = arith.constant 0 : index
      %get3A_41 = vector.load %arg9[%get3A_39, %get3A_40] : memref<1x2048xi32, #tpu.memory_space<vmem>>, vector<1x2048xi32>
      %get3A_42 = vector.shape_cast %get3A_41 : vector<1x2048xi32> to vector<2048xi32>
      %select_n3A_43 = arith.select %lt3A, %add3A_22, %get3A_42 : vector<2048xi1>, vector<2048xi32>
      %swap3A = arith.constant 0 : index
      %swap3A_44 = arith.constant 0 : index
      %swap3A_45 = vector.load %arg9[%swap3A, %swap3A_44] : memref<1x2048xi32, #tpu.memory_space<vmem>>, vector<1x2048xi32>
      %swap3A_46 = vector.shape_cast %swap3A_45 : vector<1x2048xi32> to vector<2048xi32>
      %swap3A_47 = vector.shape_cast %select_n3A_43 : vector<2048xi32> to vector<1x2048xi32>
      tpu.vector_store %arg9[%swap3A, %swap3A_44], %swap3A_47 {strides = array<i32>} : memref<1x2048xi32, #tpu.memory_space<vmem>>, vector<1x2048xi32>,
      %get3A_48 = arith.constant 0 : index
      %get3A_49 = arith.constant 0 : index
      %get3A_50 = vector.load %arg10[%get3A_48, %get3A_49] : memref<1x2048xf32, #tpu.memory_space<vmem>>, vector<1x2048xf32>
      %get3A_51 = vector.shape_cast %get3A_50 : vector<1x2048xf32> to vector<2048xf32>
      %select_n3A_52 = arith.select %lt3A, %reduce_min3A_15, %get3A_51 : vector<2048xi1>, vector<2048xf32>
      %swap3A_53 = arith.constant 0 : index
      %swap3A_54 = arith.constant 0 : index
      %swap3A_55 = vector.load %arg10[%swap3A_53, %swap3A_54] : memref<1x2048xf32, #tpu.memory_space<vmem>>, vector<1x2048xf32>
      %swap3A_56 = vector.shape_cast %swap3A_55 : vector<1x2048xf32> to vector<2048xf32>
      %swap3A_57 = vector.shape_cast %select_n3A_52 : vector<2048xf32> to vector<1x2048xf32>
      tpu.vector_store %arg10[%swap3A_53, %swap3A_54], %swap3A_57 {strides = array<i32>} : memref<1x2048xf32, #tpu.memory_space<vmem>>, vector<1x2048xf32>,
      %convert_element_type3A_58 = arith.truncf %reduce_min3A_15 : vector<2048xf32> to vector<2048xbf16>
      %convert_element_type3A_59 = arith.extf %convert_element_type3A_58 : vector<2048xbf16> to vector<2048xf32>
      %get3A_60 = arith.constant 0 : index
      %get3A_61 = arith.constant 0 : index
      %get3A_62 = vector.load %arg8[%get3A_60, %get3A_61] : memref<1x2048xf32, #tpu.memory_space<vmem>>, vector<1x2048xf32>
      %get3A_63 = vector.shape_cast %get3A_62 : vector<1x2048xf32> to vector<2048xf32>
      %select_n3A_64 = arith.select %lt3A, %convert_element_type3A_59, %get3A_63 : vector<2048xi1>, vector<2048xf32>
      %swap3A_65 = arith.constant 0 : index
      %swap3A_66 = arith.constant 0 : index
      %swap3A_67 = vector.load %arg8[%swap3A_65, %swap3A_66] : memref<1x2048xf32, #tpu.memory_space<vmem>>, vector<1x2048xf32>
      %swap3A_68 = vector.shape_cast %swap3A_67 : vector<1x2048xf32> to vector<2048xf32>
      %swap3A_69 = vector.shape_cast %select_n3A_64 : vector<2048xf32> to vector<1x2048xf32>
      tpu.vector_store %arg8[%swap3A_65, %swap3A_66], %swap3A_69 {strides = array<i32>} : memref<1x2048xf32, #tpu.memory_space<vmem>>, vector<1x2048xf32>,
    } else {
    }
    %eq3A_30 = arith.constant 2 : i32
    %eq3A_31 = arith.cmpi eq, %arg1, %eq3A_30 : i32
    %convert_element_type3A_32 = arith.extui %eq3A_31 : i1 to i32
    %cond3A_33 = arith.constant 0 : i32
    %cond3A_34 = arith.cmpi ne, %convert_element_type3A_32, %cond3A_33 : i32
    scf.if %cond3A_34 {
      %get3A_35 = arith.constant 0 : index
      %get3A_36 = arith.constant 0 : index
      %get3A_37 = vector.load %arg9[%get3A_35, %get3A_36] : memref<1x2048xi32, #tpu.memory_space<vmem>>, vector<1x2048xi32>
      %get3A_38 = vector.shape_cast %get3A_37 : vector<1x2048xi32> to vector<2048xi32>
      %swap3A = arith.constant 0 : index
      %swap3A_39 = arith.constant 0 : index
      %swap3A_40 = arith.constant 0 : index
      %swap3A_41 = vector.load %arg6[%swap3A, %swap3A_39, %swap3A_40] : memref<1x1x2048xi32, #tpu.memory_space<vmem>>, vector<1x1x2048xi32>
      %swap3A_42 = vector.shape_cast %swap3A_41 : vector<1x1x2048xi32> to vector<2048xi32>
      %swap3A_43 = vector.shape_cast %get3A_38 : vector<2048xi32> to vector<1x1x2048xi32>
      tpu.vector_store %arg6[%swap3A, %swap3A_39, %swap3A_40], %swap3A_43 {strides = array<i32>} : memref<1x1x2048xi32, #tpu.memory_space<vmem>>, vector<1x1x2048xi32>,
      %get3A_44 = arith.constant 0 : index
      %get3A_45 = arith.constant 0 : index
      %get3A_46 = vector.load %arg10[%get3A_44, %get3A_45] : memref<1x2048xf32, #tpu.memory_space<vmem>>, vector<1x2048xf32>
      %get3A_47 = vector.shape_cast %get3A_46 : vector<1x2048xf32> to vector<2048xf32>
      %reduce_sum3A = vector.shape_cast %get3A_47 : vector<2048xf32> to vector<1x2048xf32>
      %reduce_sum3A_48 = arith.constant dense<0.000000e+00> : vector<1xf32>
      %reduce_sum3A_49 = vector.multi_reduction <add>, %reduce_sum3A, %reduce_sum3A_48 [1] : vector<1x2048xf32> to vector<1xf32>
      %reduce_sum3A_50 = vector.shape_cast %reduce_sum3A_49 : vector<1xf32> to vector<1x1xf32>
      %reduce_sum3A_51 = vector.extract %reduce_sum3A_50[0, 0] : f32 from vector<1x1xf32>
      %reshape3A = vector.broadcast %reduce_sum3A_51 : f32 to vector<1x1xf32>
      %eq3A_52 = arith.constant 0 : i32
      %eq3A_53 = arith.cmpi eq, %arg0, %eq3A_52 : i32
      %convert_element_type3A_54 = arith.extui %eq3A_53 : i1 to i32
      %cond3A_55 = arith.constant 0 : i32
      %cond3A_56 = arith.cmpi ne, %convert_element_type3A_54, %cond3A_55 : i32
      scf.if %cond3A_56 {
        %swap3A_62 = arith.constant 0 : index
        %swap3A_63 = arith.constant 0 : index
        %swap3A_64 = vector.load %arg7[%swap3A_62, %swap3A_63] : memref<1x1xf32, #tpu.memory_space<vmem>>, vector<1x1xf32>
        tpu.vector_store %arg7[%swap3A_62, %swap3A_63], %reshape3A {strides = array<i32>} : memref<1x1xf32, #tpu.memory_space<vmem>>, vector<1x1xf32>,
      } else {
      }
      %gt3A_57 = arith.constant 0 : i32
      %gt3A_58 = arith.cmpi sgt, %arg0, %gt3A_57 : i32
      %convert_element_type3A_59 = arith.extui %gt3A_58 : i1 to i32
      %cond3A_60 = arith.constant 0 : i32
      %cond3A_61 = arith.cmpi ne, %convert_element_type3A_59, %cond3A_60 : i32
      scf.if %cond3A_61 {
        %get3A_62 = arith.constant 0 : index
        %get3A_63 = arith.constant 0 : index
        %get3A_64 = vector.load %arg7[%get3A_62, %get3A_63] : memref<1x1xf32, #tpu.memory_space<vmem>>, vector<1x1xf32>
        %add3A_65 = arith.addf %get3A_64, %reshape3A : vector<1x1xf32>
        %swap3A_66 = arith.constant 0 : index
        %swap3A_67 = arith.constant 0 : index
        %swap3A_68 = vector.load %arg7[%swap3A_66, %swap3A_67] : memref<1x1xf32, #tpu.memory_space<vmem>>, vector<1x1xf32>
        tpu.vector_store %arg7[%swap3A_66, %swap3A_67], %add3A_65 {strides = array<i32>} : memref<1x1xf32, #tpu.memory_space<vmem>>, vector<1x1xf32>,
      } else {
      }
    } else {
    }
    return
  }
  func.func @transform_0(%arg0: i32, %arg1: i32) -> (i32, i32) {
    %c0_i32 = arith.constant 0 : i32
    %c0_i32_0 = arith.constant 0 : i32
    return %arg1, %c0_i32 : i32, i32
  }
  func.func @transform_1(%arg0: i32, %arg1: i32) -> (i32, i32) {
    %c0_i32 = arith.constant 0 : i32
    %c0_i32_0 = arith.constant 0 : i32
    return %arg0, %c0_i32 : i32, i32
  }
  func.func @transform_2(%arg0: i32, %arg1: i32) -> (i32, i32) {
    %c0_i32 = arith.constant 0 : i32
    %c0_i32_0 = arith.constant 0 : i32
    return %c0_i32, %arg0 : i32, i32
  }
  func.func @transform_3(%arg0: i32, %arg1: i32) -> (i32, i32) {
    %c0_i32 = arith.constant 0 : i32
    %c0_i32_0 = arith.constant 0 : i32
    return %arg1, %c0_i32 : i32, i32
  }
  func.func @transform_4(%arg0: i32, %arg1: i32) -> (i32, i32, i32) {
    %c0_i32 = arith.constant 0 : i32
    %c0_i32_0 = arith.constant 0 : i32
    %c0_i32_1 = arith.constant 0 : i32
    return %arg0, %c0_i32, %c0_i32_0 : i32, i32, i32
  }
  func.func @transform_5(%arg0: i32, %arg1: i32) -> (i32, i32) {
    %c0_i32 = arith.constant 0 : i32
    %c0_i32_0 = arith.constant 0 : i32
    %c0_i32_1 = arith.constant 0 : i32
    return %c0_i32, %c0_i32_0 : i32, i32
  }
}

</mosaic_0001>

<sc_bundles>
// kernel: kernel.4.cloned.1.call-start
scs
__scs_entry_jumppad:
0x0: {  	(pc) =	sbr.rel $0x88, $3  }
0x1: {  	(tag) =	ssettag $0x0;
	lr =	simm.s32 $0x1  }
0x2: {  	[smem:$0x3F9F] =	sst lr;
	_ =	strace $0xD0000000  }
0x3: {  	_ = 	snop  }
0x4: {  	_ = 	snop  }
0x5: {  	_ = 	snop  }
0x6: {  	_ = 	snop  }
0x7: {  	_ = 	snop  }
__scs_overlays_trampoline_lowered:
0x8: {  	[smem:$0x3FAE] =	sst s0  }
0x9: {  	[smem:$0x3FAF] =	sst s1  }
0xa: {  	[smem:$0x3FB0] =	sst s2  }
0xb: {  	[smem:$0x3FB1] =	sst s3  }
0xc: {  	[smem:$0x3FB2] =	sst s4  }
0xd: {  	[smem:$0x3FB3] =	sst s5  }
0xe: {  	[smem:$0x3FB4] =	sst s6  }
0xf: {  	[smem:$0x3FB5] =	sst s7  }
0x10: {  	[smem:$0x3FB6] =	sst s8  }
0x11: {  	[smem:$0x3FB7] =	sst s9;
	s0 =	simm.s32 @!p0 $0x0  }
0x12: {  	s1 =	sld [smem:$0x3F9D];
	s0 =	simm.s32 @p0 $0x1  }
0x13: {  	[smem:$0x3FB8] =	sst s0;
	s0 =	simm.s32 @!p1 $0x0  }
0x14: {  	s2 =	sld [smem:$0x3F9C];
	s0 =	simm.s32 @p1 $0x1  }
0x15: {  	[smem:$0x3FB9] =	sst s0;
	s0 =	simm.s32 @!p2 $0x0  }
0x16: {  	s3 =	sld [smem:$0x3FDB];
	s0 =	simm.s32 @p2 $0x1  }
0x17: {  	s4 =	simm.s32 $0x1BF5;
	[smem:$0x3FBB] =	sst s0  }
0x18: {  	s0 =	sld [smem:$0x3F9E];
	_ =	swait.ge [sflag:s4], $0x0  }
0x19: {  	s7 =	sld [smem:$0x3F9F]  }
0x1a: {  	s8 =	sadd.s32 $0xFFFFE003, lr  }
0x1b: {  	s9 =	sadd.s32 $0xFFFFFEF7, lr;
	s5 =	simm.s32 $0xFFFFFFFF;
	p2 =	slt.u32 s8, $0xFFFFF086  }
0x1c: {  	p1 =	slt.u32 s9, $0xF7A;
	s5 =	simm.s32 @!p2 $0x0  }
0x1d: {  	s5 =	simm.s32 @p1 $0x1;
	p0 =	seq.s32 s7, s2  }
0x1e: {  	s7 =	smul.u32 @!p0 $0xF7A, s2;
	p2 =	seq.s32 @!p0 s5, $0x0  }
0x1f: {  	s9 =	smul.u32 $0xF7A, s1;
	s8 =	simm.s32 @!p0 $0x1BF5;
	p2 =	por !p2, p0  }
0x20: {  	[sflag:s8] =	ssyncset.s32 @!p0 $0xFFFFF086;
	s6 =	sadd.s32 @!p0 s3, s7;
	s7 =	simm.s32 @!p0 $0x108  }
0x21: {  	s3 =	sadd.s32 s3, s9;
	s6 =	sadd.s32 @!p0 $0x88, s6;
	s7 =	simm.s32 @p2 $0x1082  }
0x22: {  	[simem:s7], [sflag:s8] =	dma.local @!p0 [hbm:s6], $0xF7A  }
0x23: {  	s9 =	sor.u32 $0xD0000000, s2;
	s6 =	simm.s32 $0x108;
	_ =	swait.ge @!p0 [sflag:s8], $0x0  }
0x24: {  	s3 =	sadd.s32 $0x88, s3;
	s6 =	simm.s32 @!p1 $0x1082;
	[sflag:s4] =	ssyncset.s32 $0xFFFFF086  }
0x25: {  	[simem:s6], [sflag:s4] =	dma.local [hbm:s3], $0xF7A  }
0x26: {  	[smem:$0x3F9F] =	sst s1;
	(tag) =	ssettag s2;
	_ =	strace s9  }
0x27: {  	s1 =	sld [smem:$0x3FAF]  }
0x28: {  	s2 =	sld [smem:$0x3FB0]  }
0x29: {  	s4 =	sld [smem:$0x3FB2]  }
0x2a: {  	p0 =	seq.s32 s5, $0x0;
	s5 =	sld [smem:$0x3FB3]  }
0x2b: {  	s6 =	sld [smem:$0x3FB4]  }
0x2c: {  	s7 =	sld [smem:$0x3FB5]  }
0x2d: {  	s3 =	simm.s32 $0x108;
	s8 =	sld [smem:$0x3FB6]  }
0x2e: {  	s3 =	simm.s32 @!p0 $0x1082;
	s9 =	sld [smem:$0x3FB7]  }
0x2f: {  	lr =	sadd.s32 s0, s3;
	s0 =	sld [smem:$0x3FAE]  }
0x30: {  	s3 =	sld [smem:$0x3FB1]  }
0x31: {  	[smem:$0x3FBA] =	sst s10  }
0x32: {  	s10 =	sld [smem:$0x3FB8];
	_ =	sdelay $0x3  }
0x33: {  	p0 =	seq.s32 s10, $0x1;
	s10 =	sld [smem:$0x3FBA];
	_ =	sdelay $0x3  }
0x34: {  	[smem:$0x3FBA] =	sst s10  }
0x35: {  	s10 =	sld [smem:$0x3FB9];
	_ =	sdelay $0x3  }
0x36: {  	p1 =	seq.s32 s10, $0x1;
	s10 =	sld [smem:$0x3FBA];
	_ =	sdelay $0x3  }
0x37: {  	[smem:$0x3FBA] =	sst s10  }
0x38: {  	s10 =	sld [smem:$0x3FBB]  }
0x39: {  	_ = 	snop;
	(pc) =	sbr.ind lr, $3  }
0x3a: {  	_ = 	snop  }
0x3b: {  	_ = 	snop  }
0x3c: {  	p2 =	seq.s32 s10, $0x1;
	s10 =	sld [smem:$0x3FBA]  }
0x3d: {  	_ =	shalt  }
0x3e: {  	_ =	shalt  }
0x3f: {  	_ =	shalt  }
0x40: {  	_ =	shalt  }
0x41: {  	_ =	shalt  }
0x42: {  	_ =	shalt  }
0x43: {  	_ =	shalt  }
0x44: {  	_ =	shalt  }
0x45: {  	_ =	shalt  }
0x46: {  	_ =	shalt  }
0x47: {  	_ =	shalt  }
0x48: {  	_ =	shalt  }
0x49: {  	_ =	shalt  }
0x4a: {  	_ =	shalt  }
0x4b: {  	_ =	shalt  }
0x4c: {  	_ =	shalt  }
0x4d: {  	_ =	shalt  }
0x4e: {  	_ =	shalt  }
0x4f: {  	_ =	shalt  }
0x50: {  	_ =	shalt  }
0x51: {  	_ =	shalt  }
0x52: {  	_ =	shalt  }
0x53: {  	_ =	shalt  }
0x54: {  	_ =	shalt  }
0x55: {  	_ =	shalt  }
0x56: {  	_ =	shalt  }
0x57: {  	_ =	shalt  }
0x58: {  	_ =	shalt  }
0x59: {  	_ =	shalt  }
0x5a: {  	_ =	shalt  }
0x5b: {  	_ =	shalt  }
0x5c: {  	_ =	shalt  }
0x5d: {  	_ =	shalt  }
0x5e: {  	_ =	shalt  }
0x5f: {  	_ =	shalt  }
0x60: {  	_ =	shalt  }
0x61: {  	_ =	shalt  }
0x62: {  	_ =	shalt  }
0x63: {  	_ =	shalt  }
0x64: {  	_ =	shalt  }
0x65: {  	_ =	shalt  }
0x66: {  	_ =	shalt  }
0x67: {  	_ =	shalt  }
0x68: {  	_ =	shalt  }
0x69: {  	_ =	shalt  }
0x6a: {  	_ =	shalt  }
0x6b: {  	_ =	shalt  }
0x6c: {  	_ =	shalt  }
0x6d: {  	_ =	shalt  }
0x6e: {  	_ =	shalt  }
0x6f: {  	_ =	shalt  }
0x70: {  	_ =	shalt  }
0x71: {  	_ =	shalt  }
0x72: {  	_ =	shalt  }
0x73: {  	_ =	shalt  }
0x74: {  	_ =	shalt  }
0x75: {  	_ =	shalt  }
0x76: {  	_ =	shalt  }
0x77: {  	_ =	shalt  }
0x78: {  	_ =	shalt  }
0x79: {  	_ =	shalt  }
0x7a: {  	_ =	shalt  }
0x7b: {  	_ =	shalt  }
0x7c: {  	_ =	shalt  }
0x7d: {  	_ =	shalt  }
0x7e: {  	_ =	shalt  }
0x7f: {  	_ =	shalt  }
0x80: {  	_ =	shalt  }
0x81: {  	_ =	shalt  }
0x82: {  	_ =	shalt  }
0x83: {  	_ =	shalt  }
0x84: {  	_ =	shalt  }
0x85: {  	_ =	shalt  }
0x86: {  	_ =	shalt  }
0x87: {  	_ =	shalt  }
.Lfunc_end0:
.L_simem_size_0:
called_computation_lowered:
.L_overlay_start_0:
0x88: {  	s2 =	sld [smem:$0x3FD9]  }
0x89: {  	s3 =	sld [smem:$0x3FFE];
	_ =	sdelay $0x1  }
0x8a: {  	s1 =	srdreg.scid  }
0x8b: {  	s0 =	sand.u32 $0x1, s1  }
0x8c: {  	s14 =	sshll.u32 s0, $0xA;
	s2 =	sadd.s32 s3, s2  }
0x8d: {  	s2 =	sadd.s32 s2, s14  }
0x8e: {  	[smem:$0x3FC6] =	sst s2  }
0x8f: {  	_ = 	snop  }
0x90: {  	s2 =	sld [smem:$0x3FD0];
	_ =	sdelay $0x2  }
0x91: {  	s15 =	simm.s32 $0xA;
	s4 =	simm.s32 $0x10  }
0x92: {  	[smem:s4], [sflag:s15] =	dma.local [hbm:s2], $0x1  }
0x93: {  	_ =	swait.eq [sflag:s15], $0x1  }
0x94: {  	[sflag:s15] =	ssyncset.done $0x0  }
0x95: {  	[sflag:s15] =	ssyncadd.s32 $0xFFFFFFFF  }
0x96: {  	s16 =	sld [smem:$0x10];
	(tm) =	ssettm $0x1  }
0x97: {  	s17 =	sld [smem:$0x3FFB];
	_ =	sdelay $0x3  }
0x98: {  	_ =	strace s17  }
0x99: {  	s3 =	sld [smem:$0x3FFC];
	_ =	sdelay $0x3  }
0x9a: {  	_ =	strace s3  }
0x9b: {  	s3 =	sld [smem:$0x3FFD];
	_ =	sdelay $0x3  }
0x9c: {  	_ =	strace s3  }
0x9d: {  	_ =	strace $0x8FFFFFFF  }
0x9e: {  	s18 =	sld [smem:$0x3FDB];
	_ =	sdelay $0x1  }
0x9f: {  	s19 =	simm.s32 $_scs_section_size  }
0xa0: {  	s5 =	simm.s32 $_size__tile_overlayer_lowered;
	s6 =	simm.s32 $_tile_overlayer_lowered  }
0xa1: {  	s22 =	simm.s32 $0x1BFF;
	s21 =	sshll.u32 s6, $0x1;
	s3 =	sadd.s32 s19, s18  }
0xa2: {  	s7 =	simm.s32 $0x0;
	s20 =	sshll.u32 s5, $0x1;
	s5 =	sadd.s32 s21, s3  }
0xa3: {  	[timem:s7], [sflag:s22] =	dma.local [hbm:s5], s20  }
0xa4: {  	_ =	swait.ge [sflag:s22], s20  }
0xa5: {  	s4 =	ssub.s32 $0x0, s20;
	[sflag:s22] =	ssyncset.done $0x0  }
0xa6: {  	[sflag:s22] =	ssyncadd.s32 s4;
	_ =	sdelay $0x1  }
0xa7: {  	s23 =	simm.s32 $0x1B8B  }
0xa8: {  	_ =	swait.ge [sflag:s23], $0x1  }
0xa9: {  	[sflag:s23] =	ssyncset.done $0x0  }
0xaa: {  	s25 =	simm.s32 $0x1B8E;
	s24 =	sld [smem:$0x3FFE];
	[sflag:s23] =	ssyncadd.s32 $0xFFFFFFFF  }
0xab: {  	s26 =	simm.s32 $execute0_lowered;
	[smem:$0x3FD2] =	sst s25  }
0xac: {  	s5 =	sshll.u32 s26, $0x1;
	_ =	strace $0x80000046;
	[dreg:$0x1] =	wrdreg $0xFFFFFFFF  }
0xad: {  	s28 =	simm.s32 $_size_execute0_lowered;
	s3 =	sadd.s32 s3, s5;
	[dreg:$0x0] =	wrdreg $0x0  }
0xae: {  	s5 =	sshll.u32 s28, $0x1;
	[dreg:$0x2] =	wrdreg s3  }
0xaf: {  	[dreg:$0x3] =	wrdreg s5  }
0xb0: {  	[dreg:$0x4] =	wrdreg $0xC0  }
0xb1: {  	_ =	task [dreg:s7], $0x5FFFF  }
0xb2: {  	[dreg:$0x1] =	wrdreg $0xFFFFFFFF  }
0xb3: {  	[dreg:$0x0] =	wrdreg $0x60  }
0xb4: {  	[dreg:$0x2] =	wrdreg s24  }
0xb5: {  	[dreg:$0x3] =	wrdreg s16  }
0xb6: {  	[dreg:$0x4] =	wrdreg $0x9  }
0xb7: {  	_ =	task.clear_ibuf [dreg:s7], $0x5FFFF;
	_ =	strace $0x90000046  }
0xb8: {  	s29 =	simm.s32 $0x9;
	_ =	strace $0x80000048  }
0xb9: {  	_ =	swait.ge [sflag:s29], $0x1  }
0xba: {  	[sflag:s29] =	ssyncadd.s32 $0xFFFFFFFF  }
0xbb: {  	_ =	strace $0x90000048  }
0xbc: {  	_ =	sfence  }
0xbd: {  	s30 =	sld [smem:$0x0];
	_ =	sdelay $0x2  }
0xbe: {  	s31 =	sshll.u32 s1, $0xD;
	s1 =	sshrl.u32 s1, $0x2  }
0xbf: {  	s3 =	sand.u32 $0x4000, s31;
	s1 =	sadd.s32 s1, s30  }
0xc0: {  	s0 =	sor.u32 s3, s0;
	s1 =	sshll.u32 s1, $0x11  }
0xc1: {  	s0 =	sor.u32 s1, s0  }
0xc2: {  	s0 =	sadd.s32 $0x8F2B, s0  }
0xc3: {  	[sflag:s0] =	ssyncadd.remote.s32 $0x1  }
0xc4: {  	_ =	sfence.sel $0xFFFF  }
0xc5: {  	[dreg:$0x0] =	wrdreg $0xFFFFFFFF;
	(pc) =	sbr.abs _section_cstart, $3  }
0xc6: {  	[dreg:$0x1] =	wrdreg $0xFFFFFFFF  }
0xc7: {  	_ =	task.clear_ibuf [dreg:s7], $0x2FFFF;
	_ =	strace $0x9FFFFFFF  }
0xc8: {  	(tm) =	ssettm $0x7FFFFFFF  }
0xc9: {  	_ =	shalt  }
tec
execute0_lowered:
.L_overlay_start_1:
0x0: {  	(tag) =	ssettag $0x1  }
0x1: {  	s1 =	rddreg [dreg:$0x0]  }
0x2: {  	s11 =	rddreg [dreg:$0x1]  }
0x3: {  	s0 =	rddreg [dreg:$0x2]  }
0x4: {  	s3 =	simm.s32 $0x0;
	s4 =	srdreg.scid;
	s2 =	stileid.u32  }
0x5: {  	s15 =	simm.s32 $0x880;
	s16 =	simm.s32 $0x1080;
	s17 =	simm.s32 $0x1880  }
0x6: {  	s18 =	simm.s32 $0x2080;
	s19 =	simm.s32 $0x2880;
	s20 =	simm.s32 $0x3080  }
0x7: {  	s21 =	simm.s32 $0x3880;
	s22 =	simm.s32 $0x4080;
	s28 =	simm.s32 $0x6880  }
0x8: {  	s29 =	simm.s32 $0x7080;
	s30 =	simm.s32 $0x7880;
	s31 =	simm.s32 $0x1  }
0x9: {  	[smem:$0x7FF] =	sst s3;
	s4 =	sand.u32 $0x1, s4;
	s6 =	sshll.u32 s2, $0xA  }
0xa: {  	s10 =	sadd.s32 $0x40000, s1;
	s5 =	ssub.s32 $0x2, s4;
	s4 =	sshll.u32 s4, $0x9  }
0xb: {  	_ =	strace $0x80000047;
	s7 =	sshrl.u32 s5, $0x1;
	s9 =	sor.u32 s4, s6  }
0xc: {  	s12 =	ssub.s32 s5, s7;
	s4 =	sshrl.u32 s9, $0x3;
	s23 =	sshll.u32 s9, $0x5  }
0xd: {  	s6 =	sor.u32 $0x80, s9;
	s13 =	sor.u32 $0x100, s9;
	s14 =	sor.u32 $0x180, s9  }
0xe: {  	s4 =	sadd.s32 s10, s4;
	s5 =	sadd.s32 s11, s23;
	s24 =	sshrl.u32 s6, $0x3  }
0xf: {  	s8 =	sshll.u32 s6, $0x5;
	s25 =	sshrl.u32 s13, $0x3;
	s13 =	sshll.u32 s13, $0x5  }
0x10: {  	s26 =	sshrl.u32 s14, $0x3;
	s14 =	sshll.u32 s14, $0x5;
	s12 =	smax.u32 s12, $0x1  }
0x11: {  	s23 =	simm.s32 $0x4880;
	s6 =	sadd.s32 s10, s24;
	s7 =	sadd.s32 s11, s8  }
0x12: {  	v2 =	vlaneseq.u32;
	s8 =	sadd.s32 s10, s25;
	s9 =	sadd.s32 s11, s13;
	s10 =	sadd.s32 s10, s26  }
0x13: {  	vm0 =	vmmov $0xffff;
	v1 =	vshrl.u32 v2, $0x3;
	s11 =	sadd.s32 s11, s14;
	s13 =	simm.s32 $0x2;
	s14 =	simm.s32 $0x80  }
0x14: {  	v0 =	vand.u32 $0x7, v2;
	v2 =	vor.u32 $0x8, v2;
	v1 =	vmul.u32 $0x8, v1;
	s24 =	simm.s32 $0x5080;
	s25 =	simm.s32 $0x5880;
	s26 =	simm.s32 $0x6080  }
.LBB2_1:
0x15: {  	[tilespmem:s3], [sflag:$0x2] =	stream.linear.gather [hbm4b:s4+s3], $0x80, $0x38;
	[tilespmem:$0x8080] =	vst v63  }
0x16: {  	_ =	swait.ge [sflag:s13], $0x80  }
0x17: {  	[sflag:s13] =	ssyncset.done $0x0  }
0x18: {  	[sflag:s13] =	ssyncadd.s32 $0xFFFFFF80  }
0x19: {  	v3 =	vld [tilespmem:$0x0];
	_ =	sdelay $0x4  }
0x1a: {  	v4 =	vshll.u32 v3, $0x1  }
0x1b: {  	v3 =	vand.u32 $0x7, v3;
	v4 =	vand.u32 $0xFFFFFFF0, v4  }
0x1c: {  	v3 =	vor.u32 v3, v4  }
0x1d: {  	v4 =	vperm.xlane v3, v0;
	_ =	sdelay $0x1  }
0x1e: {  	v3 =	vperm.xlane v3, v2;
	v4 =	vadd.s32 v1, v4;
	_ =	sdelay $0x1  }
0x1f: {  	v3 =	vadd.s32 v1, v3;
	_ =	sdelay $0x2  }
0x20: {  	[tilespmem:s14], [sflag:$0x1] =	stream.indirect_vreg.gather [hbm4b:s1+s3], $0x80, v4, vm0, $0xb8;
	[tilespmem:$0x8080] =	vst v63  }
0x21: {  	_ = 	snop  }
0x22: {  	[tilespmem:s15], [sflag:$0x1] =	stream.indirect_vreg.gather [hbm4b:s1+s3], $0x80, v3, vm0, $0xb8;
	[tilespmem:$0x8080] =	vst v63  }
0x23: {  	v3 =	vld [tilespmem:$0x10];
	_ =	sdelay $0x4  }
0x24: {  	v33 =	vshll.u32 v3, $0x1  }
0x25: {  	v3 =	vand.u32 $0x7, v3;
	v4 =	vand.u32 $0xFFFFFFF0, v33  }
0x26: {  	v3 =	vor.u32 v3, v4  }
0x27: {  	v4 =	vperm.xlane v3, v0;
	_ =	sdelay $0x1  }
0x28: {  	v3 =	vperm.xlane v3, v2;
	v4 =	vadd.s32 v1, v4;
	_ =	sdelay $0x1  }
0x29: {  	v3 =	vadd.s32 v1, v3;
	_ =	sdelay $0x2  }
0x2a: {  	[tilespmem:s16], [sflag:$0x1] =	stream.indirect_vreg.gather [hbm4b:s1+s3], $0x80, v4, vm0, $0xb8;
	[tilespmem:$0x8080] =	vst v63  }
0x2b: {  	_ = 	snop  }
0x2c: {  	[tilespmem:s17], [sflag:$0x1] =	stream.indirect_vreg.gather [hbm4b:s1+s3], $0x80, v3, vm0, $0xb8;
	[tilespmem:$0x8080] =	vst v63  }
0x2d: {  	v3 =	vld [tilespmem:$0x20];
	_ =	sdelay $0x4  }
0x2e: {  	v34 =	vshll.u32 v3, $0x1  }
0x2f: {  	v3 =	vand.u32 $0x7, v3;
	v4 =	vand.u32 $0xFFFFFFF0, v34  }
0x30: {  	v3 =	vor.u32 v3, v4  }
0x31: {  	v4 =	vperm.xlane v3, v0;
	_ =	sdelay $0x1  }
0x32: {  	v3 =	vperm.xlane v3, v2;
	v4 =	vadd.s32 v1, v4;
	_ =	sdelay $0x1  }
0x33: {  	v3 =	vadd.s32 v1, v3;
	_ =	sdelay $0x2  }
0x34: {  	[tilespmem:s18], [sflag:$0x1] =	stream.indirect_vreg.gather [hbm4b:s1+s3], $0x80, v4, vm0, $0xb8;
	[tilespmem:$0x8080] =	vst v63  }
0x35: {  	_ = 	snop  }
0x36: {  	[tilespmem:s19], [sflag:$0x1] =	stream.indirect_vreg.gather [hbm4b:s1+s3], $0x80, v3, vm0, $0xb8;
	[tilespmem:$0x8080] =	vst v63  }
0x37: {  	v3 =	vld [tilespmem:$0x30];
	_ =	sdelay $0x4  }
0x38: {  	v35 =	vshll.u32 v3, $0x1  }
0x39: {  	v3 =	vand.u32 $0x7, v3;
	v4 =	vand.u32 $0xFFFFFFF0, v35  }
0x3a: {  	v3 =	vor.u32 v3, v4  }
0x3b: {  	v4 =	vperm.xlane v3, v0;
	_ =	sdelay $0x1  }
0x3c: {  	v3 =	vperm.xlane v3, v2;
	v4 =	vadd.s32 v1, v4;
	_ =	sdelay $0x1  }
0x3d: {  	v3 =	vadd.s32 v1, v3;
	_ =	sdelay $0x2  }
0x3e: {  	[tilespmem:s20], [sflag:$0x1] =	stream.indirect_vreg.gather [hbm4b:s1+s3], $0x80, v4, vm0, $0xb8;
	[tilespmem:$0x8080] =	vst v63  }
0x3f: {  	_ = 	snop  }
0x40: {  	[tilespmem:s21], [sflag:$0x1] =	stream.indirect_vreg.gather [hbm4b:s1+s3], $0x80, v3, vm0, $0xb8;
	[tilespmem:$0x8080] =	vst v63  }
0x41: {  	v3 =	vld [tilespmem:$0x40];
	_ =	sdelay $0x4  }
0x42: {  	v36 =	vshll.u32 v3, $0x1  }
0x43: {  	v3 =	vand.u32 $0x7, v3;
	v4 =	vand.u32 $0xFFFFFFF0, v36  }
0x44: {  	v3 =	vor.u32 v3, v4  }
0x45: {  	v4 =	vperm.xlane v3, v0;
	_ =	sdelay $0x1  }
0x46: {  	v3 =	vperm.xlane v3, v2;
	v4 =	vadd.s32 v1, v4;
	_ =	sdelay $0x1  }
0x47: {  	v3 =	vadd.s32 v1, v3;
	_ =	sdelay $0x2  }
0x48: {  	[tilespmem:s22], [sflag:$0x1] =	stream.indirect_vreg.gather [hbm4b:s1+s3], $0x80, v4, vm0, $0xb8;
	[tilespmem:$0x8080] =	vst v63  }
0x49: {  	_ = 	snop  }
0x4a: {  	[tilespmem:s23], [sflag:$0x1] =	stream.indirect_vreg.gather [hbm4b:s1+s3], $0x80, v3, vm0, $0xb8;
	[tilespmem:$0x8080] =	vst v63  }
0x4b: {  	v3 =	vld [tilespmem:$0x50];
	_ =	sdelay $0x4  }
0x4c: {  	v37 =	vshll.u32 v3, $0x1  }
0x4d: {  	v3 =	vand.u32 $0x7, v3;
	v4 =	vand.u32 $0xFFFFFFF0, v37  }
0x4e: {  	v3 =	vor.u32 v3, v4  }
0x4f: {  	v4 =	vperm.xlane v3, v0;
	_ =	sdelay $0x1  }
0x50: {  	v3 =	vperm.xlane v3, v2;
	v4 =	vadd.s32 v1, v4;
	_ =	sdelay $0x1  }
0x51: {  	v3 =	vadd.s32 v1, v3;
	_ =	sdelay $0x2  }
0x52: {  	[tilespmem:s24], [sflag:$0x1] =	stream.indirect_vreg.gather [hbm4b:s1+s3], $0x80, v4, vm0, $0xb8;
	[tilespmem:$0x8080] =	vst v63  }
0x53: {  	_ = 	snop  }
0x54: {  	[tilespmem:s25], [sflag:$0x1] =	stream.indirect_vreg.gather [hbm4b:s1+s3], $0x80, v3, vm0, $0xb8;
	[tilespmem:$0x8080] =	vst v63  }
0x55: {  	v3 =	vld [tilespmem:$0x60];
	_ =	sdelay $0x4  }
0x56: {  	v38 =	vshll.u32 v3, $0x1  }
0x57: {  	v3 =	vand.u32 $0x7, v3;
	v4 =	vand.u32 $0xFFFFFFF0, v38  }
0x58: {  	v3 =	vor.u32 v3, v4  }
0x59: {  	v4 =	vperm.xlane v3, v0;
	_ =	sdelay $0x1  }
0x5a: {  	v3 =	vperm.xlane v3, v2;
	v4 =	vadd.s32 v1, v4;
	_ =	sdelay $0x1  }
0x5b: {  	v3 =	vadd.s32 v1, v3;
	_ =	sdelay $0x2  }
0x5c: {  	[tilespmem:s26], [sflag:$0x1] =	stream.indirect_vreg.gather [hbm4b:s1+s3], $0x80, v4, vm0, $0xb8;
	[tilespmem:$0x8080] =	vst v63  }
0x5d: {  	_ = 	snop  }
0x5e: {  	[tilespmem:s28], [sflag:$0x1] =	stream.indirect_vreg.gather [hbm4b:s1+s3], $0x80, v3, vm0, $0xb8;
	[tilespmem:$0x8080] =	vst v63  }
0x5f: {  	v3 =	vld [tilespmem:$0x70];
	_ =	sdelay $0x4  }
0x60: {  	v39 =	vshll.u32 v3, $0x1  }
0x61: {  	v3 =	vand.u32 $0x7, v3;
	v4 =	vand.u32 $0xFFFFFFF0, v39  }
0x62: {  	v3 =	vor.u32 v3, v4  }
0x63: {  	v4 =	vperm.xlane v3, v0;
	_ =	sdelay $0x1  }
0x64: {  	v3 =	vperm.xlane v3, v2;
	v4 =	vadd.s32 v1, v4;
	_ =	sdelay $0x1  }
0x65: {  	v3 =	vadd.s32 v1, v3;
	_ =	sdelay $0x2  }
0x66: {  	[tilespmem:s29], [sflag:$0x1] =	stream.indirect_vreg.gather [hbm4b:s1+s3], $0x80, v4, vm0, $0xb8;
	[tilespmem:$0x8080] =	vst v63  }
0x67: {  	_ = 	snop  }
0x68: {  	[tilespmem:s30], [sflag:$0x1] =	stream.indirect_vreg.gather [hbm4b:s1+s3], $0x80, v3, vm0, $0xb8;
	[tilespmem:$0x8080] =	vst v63  }
0x69: {  	_ =	swait.ge [sflag:s31], $0x8000  }
0x6a: {  	[sflag:s31] =	ssyncset.done $0x0  }
0x6b: {  	[sflag:s31] =	ssyncadd.s32 $0xFFFF8000  }
0x6c: {  	[hbm4b:s5+s3] =	stream.linear.scatter [tilespmem:s14], [sflag:$0x2], $0x8000, $0x38;
	[tilespmem:$0x8080] =	vst v63  }
0x6d: {  	_ =	swait.ge [sflag:s13], $0x8000  }
0x6e: {  	[sflag:s13] =	ssyncset.done $0x0  }
0x6f: {  	[sflag:s13] =	ssyncadd.s32 $0xFFFF8000  }
0x70: {  	[tilespmem:s3], [sflag:$0x2] =	stream.linear.gather [hbm4b:s6+s3], $0x80, $0x38;
	[tilespmem:$0x8080] =	vst v63  }
0x71: {  	_ =	swait.ge [sflag:s13], $0x80  }
0x72: {  	[sflag:s13] =	ssyncset.done $0x0  }
0x73: {  	[sflag:s13] =	ssyncadd.s32 $0xFFFFFF80  }
0x74: {  	v3 =	vld [tilespmem:$0x0];
	_ =	sdelay $0x4  }
0x75: {  	v40 =	vshll.u32 v3, $0x1  }
0x76: {  	v3 =	vand.u32 $0x7, v3;
	v4 =	vand.u32 $0xFFFFFFF0, v40  }
0x77: {  	v3 =	vor.u32 v3, v4  }
0x78: {  	v4 =	vperm.xlane v3, v0;
	_ =	sdelay $0x1  }
0x79: {  	v3 =	vperm.xlane v3, v2;
	v4 =	vadd.s32 v1, v4;
	_ =	sdelay $0x1  }
0x7a: {  	v3 =	vadd.s32 v1, v3;
	_ =	sdelay $0x2  }
0x7b: {  	[tilespmem:s14], [sflag:$0x1] =	stream.indirect_vreg.gather [hbm4b:s1+s3], $0x80, v4, vm0, $0xb8;
	[tilespmem:$0x8080] =	vst v63  }
0x7c: {  	_ = 	snop  }
0x7d: {  	[tilespmem:s15], [sflag:$0x1] =	stream.indirect_vreg.gather [hbm4b:s1+s3], $0x80, v3, vm0, $0xb8;
	[tilespmem:$0x8080] =	vst v63  }
0x7e: {  	v3 =	vld [tilespmem:$0x10];
	_ =	sdelay $0x4  }
0x7f: {  	v41 =	vshll.u32 v3, $0x1  }
0x80: {  	v3 =	vand.u32 $0x7, v3;
	v4 =	vand.u32 $0xFFFFFFF0, v41  }
0x81: {  	v3 =	vor.u32 v3, v4  }
0x82: {  	v4 =	vperm.xlane v3, v0;
	_ =	sdelay $0x1  }
0x83: {  	v3 =	vperm.xlane v3, v2;
	v4 =	vadd.s32 v1, v4;
	_ =	sdelay $0x1  }
0x84: {  	v3 =	vadd.s32 v1, v3;
	_ =	sdelay $0x2  }
0x85: {  	[tilespmem:s16], [sflag:$0x1] =	stream.indirect_vreg.gather [hbm4b:s1+s3], $0x80, v4, vm0, $0xb8;
	[tilespmem:$0x8080] =	vst v63  }
0x86: {  	_ = 	snop  }
0x87: {  	[tilespmem:s17], [sflag:$0x1] =	stream.indirect_vreg.gather [hbm4b:s1+s3], $0x80, v3, vm0, $0xb8;
	[tilespmem:$0x8080] =	vst v63  }
0x88: {  	v3 =	vld [tilespmem:$0x20];
	_ =	sdelay $0x4  }
0x89: {  	v42 =	vshll.u32 v3, $0x1  }
0x8a: {  	v3 =	vand.u32 $0x7, v3;
	v4 =	vand.u32 $0xFFFFFFF0, v42  }
0x8b: {  	v3 =	vor.u32 v3, v4  }
0x8c: {  	v4 =	vperm.xlane v3, v0;
	_ =	sdelay $0x1  }
0x8d: {  	v3 =	vperm.xlane v3, v2;
	v4 =	vadd.s32 v1, v4;
	_ =	sdelay $0x1  }
0x8e: {  	v3 =	vadd.s32 v1, v3;
	_ =	sdelay $0x2  }
0x8f: {  	[tilespmem:s18], [sflag:$0x1] =	stream.indirect_vreg.gather [hbm4b:s1+s3], $0x80, v4, vm0, $0xb8;
	[tilespmem:$0x8080] =	vst v63  }
0x90: {  	_ = 	snop  }
0x91: {  	[tilespmem:s19], [sflag:$0x1] =	stream.indirect_vreg.gather [hbm4b:s1+s3], $0x80, v3, vm0, $0xb8;
	[tilespmem:$0x8080] =	vst v63  }
0x92: {  	v3 =	vld [tilespmem:$0x30];
	_ =	sdelay $0x4  }
0x93: {  	v43 =	vshll.u32 v3, $0x1  }
0x94: {  	v3 =	vand.u32 $0x7, v3;
	v4 =	vand.u32 $0xFFFFFFF0, v43  }
0x95: {  	v3 =	vor.u32 v3, v4  }
0x96: {  	v4 =	vperm.xlane v3, v0;
	_ =	sdelay $0x1  }
0x97: {  	v3 =	vperm.xlane v3, v2;
	v4 =	vadd.s32 v1, v4;
	_ =	sdelay $0x1  }
0x98: {  	v3 =	vadd.s32 v1, v3;
	_ =	sdelay $0x2  }
0x99: {  	[tilespmem:s20], [sflag:$0x1] =	stream.indirect_vreg.gather [hbm4b:s1+s3], $0x80, v4, vm0, $0xb8;
	[tilespmem:$0x8080] =	vst v63  }
0x9a: {  	_ = 	snop  }
0x9b: {  	[tilespmem:s21], [sflag:$0x1] =	stream.indirect_vreg.gather [hbm4b:s1+s3], $0x80, v3, vm0, $0xb8;
	[tilespmem:$0x8080] =	vst v63  }
0x9c: {  	v3 =	vld [tilespmem:$0x40];
	_ =	sdelay $0x4  }
0x9d: {  	v44 =	vshll.u32 v3, $0x1  }
0x9e: {  	v3 =	vand.u32 $0x7, v3;
	v4 =	vand.u32 $0xFFFFFFF0, v44  }
0x9f: {  	v3 =	vor.u32 v3, v4  }
0xa0: {  	v4 =	vperm.xlane v3, v0;
	_ =	sdelay $0x1  }
0xa1: {  	v3 =	vperm.xlane v3, v2;
	v4 =	vadd.s32 v1, v4;
	_ =	sdelay $0x1  }
0xa2: {  	v3 =	vadd.s32 v1, v3;
	_ =	sdelay $0x2  }
0xa3: {  	[tilespmem:s22], [sflag:$0x1] =	stream.indirect_vreg.gather [hbm4b:s1+s3], $0x80, v4, vm0, $0xb8;
	[tilespmem:$0x8080] =	vst v63  }
0xa4: {  	_ = 	snop  }
0xa5: {  	[tilespmem:s23], [sflag:$0x1] =	stream.indirect_vreg.gather [hbm4b:s1+s3], $0x80, v3, vm0, $0xb8;
	[tilespmem:$0x8080] =	vst v63  }
0xa6: {  	v3 =	vld [tilespmem:$0x50];
	_ =	sdelay $0x4  }
0xa7: {  	v45 =	vshll.u32 v3, $0x1  }
0xa8: {  	v3 =	vand.u32 $0x7, v3;
	v4 =	vand.u32 $0xFFFFFFF0, v45  }
0xa9: {  	v3 =	vor.u32 v3, v4  }
0xaa: {  	v4 =	vperm.xlane v3, v0;
	_ =	sdelay $0x1  }
0xab: {  	v3 =	vperm.xlane v3, v2;
	v4 =	vadd.s32 v1, v4;
	_ =	sdelay $0x1  }
0xac: {  	v3 =	vadd.s32 v1, v3;
	_ =	sdelay $0x2  }
0xad: {  	[tilespmem:s24], [sflag:$0x1] =	stream.indirect_vreg.gather [hbm4b:s1+s3], $0x80, v4, vm0, $0xb8;
	[tilespmem:$0x8080] =	vst v63  }
0xae: {  	_ = 	snop  }
0xaf: {  	[tilespmem:s25], [sflag:$0x1] =	stream.indirect_vreg.gather [hbm4b:s1+s3], $0x80, v3, vm0, $0xb8;
	[tilespmem:$0x8080] =	vst v63  }
0xb0: {  	v3 =	vld [tilespmem:$0x60];
	_ =	sdelay $0x4  }
0xb1: {  	v46 =	vshll.u32 v3, $0x1  }
0xb2: {  	v3 =	vand.u32 $0x7, v3;
	v4 =	vand.u32 $0xFFFFFFF0, v46  }
0xb3: {  	v3 =	vor.u32 v3, v4  }
0xb4: {  	v4 =	vperm.xlane v3, v0;
	_ =	sdelay $0x1  }
0xb5: {  	v3 =	vperm.xlane v3, v2;
	v4 =	vadd.s32 v1, v4;
	_ =	sdelay $0x1  }
0xb6: {  	v3 =	vadd.s32 v1, v3;
	_ =	sdelay $0x2  }
0xb7: {  	[tilespmem:s26], [sflag:$0x1] =	stream.indirect_vreg.gather [hbm4b:s1+s3], $0x80, v4, vm0, $0xb8;
	[tilespmem:$0x8080] =	vst v63  }
0xb8: {  	_ = 	snop  }
0xb9: {  	[tilespmem:s28], [sflag:$0x1] =	stream.indirect_vreg.gather [hbm4b:s1+s3], $0x80, v3, vm0, $0xb8;
	[tilespmem:$0x8080] =	vst v63  }
0xba: {  	v3 =	vld [tilespmem:$0x70];
	_ =	sdelay $0x4  }
0xbb: {  	v47 =	vshll.u32 v3, $0x1  }
0xbc: {  	v3 =	vand.u32 $0x7, v3;
	v4 =	vand.u32 $0xFFFFFFF0, v47  }
0xbd: {  	v3 =	vor.u32 v3, v4  }
0xbe: {  	v4 =	vperm.xlane v3, v0;
	_ =	sdelay $0x1  }
0xbf: {  	v3 =	vperm.xlane v3, v2;
	v4 =	vadd.s32 v1, v4;
	_ =	sdelay $0x1  }
0xc0: {  	v3 =	vadd.s32 v1, v3;
	_ =	sdelay $0x2  }
0xc1: {  	[tilespmem:s29], [sflag:$0x1] =	stream.indirect_vreg.gather [hbm4b:s1+s3], $0x80, v4, vm0, $0xb8;
	[tilespmem:$0x8080] =	vst v63  }
0xc2: {  	_ = 	snop  }
0xc3: {  	[tilespmem:s30], [sflag:$0x1] =	stream.indirect_vreg.gather [hbm4b:s1+s3], $0x80, v3, vm0, $0xb8;
	[tilespmem:$0x8080] =	vst v63  }
0xc4: {  	_ =	swait.ge [sflag:s31], $0x8000  }
0xc5: {  	[sflag:s31] =	ssyncset.done $0x0  }
0xc6: {  	[sflag:s31] =	ssyncadd.s32 $0xFFFF8000  }
0xc7: {  	[hbm4b:s7+s3] =	stream.linear.scatter [tilespmem:s14], [sflag:$0x2], $0x8000, $0x38;
	[tilespmem:$0x8080] =	vst v63  }
0xc8: {  	_ =	swait.ge [sflag:s13], $0x8000  }
0xc9: {  	[sflag:s13] =	ssyncset.done $0x0  }
0xca: {  	[sflag:s13] =	ssyncadd.s32 $0xFFFF8000  }
0xcb: {  	[tilespmem:s3], [sflag:$0x2] =	stream.linear.gather [hbm4b:s8+s3], $0x80, $0x38;
	[tilespmem:$0x8080] =	vst v63  }
0xcc: {  	_ =	swait.ge [sflag:s13], $0x80  }
0xcd: {  	[sflag:s13] =	ssyncset.done $0x0  }
0xce: {  	[sflag:s13] =	ssyncadd.s32 $0xFFFFFF80  }
0xcf: {  	v3 =	vld [tilespmem:$0x0];
	_ =	sdelay $0x4  }
0xd0: {  	v48 =	vshll.u32 v3, $0x1  }
0xd1: {  	v3 =	vand.u32 $0x7, v3;
	v4 =	vand.u32 $0xFFFFFFF0, v48  }
0xd2: {  	v3 =	vor.u32 v3, v4  }
0xd3: {  	v4 =	vperm.xlane v3, v0;
	_ =	sdelay $0x1  }
0xd4: {  	v3 =	vperm.xlane v3, v2;
	v4 =	vadd.s32 v1, v4;
	_ =	sdelay $0x1  }
0xd5: {  	v3 =	vadd.s32 v1, v3;
	_ =	sdelay $0x2  }
0xd6: {  	[tilespmem:s14], [sflag:$0x1] =	stream.indirect_vreg.gather [hbm4b:s1+s3], $0x80, v4, vm0, $0xb8;
	[tilespmem:$0x8080] =	vst v63  }
0xd7: {  	_ = 	snop  }
0xd8: {  	[tilespmem:s15], [sflag:$0x1] =	stream.indirect_vreg.gather [hbm4b:s1+s3], $0x80, v3, vm0, $0xb8;
	[tilespmem:$0x8080] =	vst v63  }
0xd9: {  	v3 =	vld [tilespmem:$0x10];
	_ =	sdelay $0x4  }
0xda: {  	v49 =	vshll.u32 v3, $0x1  }
0xdb: {  	v3 =	vand.u32 $0x7, v3;
	v4 =	vand.u32 $0xFFFFFFF0, v49  }
0xdc: {  	v3 =	vor.u32 v3, v4  }
0xdd: {  	v4 =	vperm.xlane v3, v0;
	_ =	sdelay $0x1  }
0xde: {  	v3 =	vperm.xlane v3, v2;
	v4 =	vadd.s32 v1, v4;
	_ =	sdelay $0x1  }
0xdf: {  	v3 =	vadd.s32 v1, v3;
	_ =	sdelay $0x2  }
0xe0: {  	[tilespmem:s16], [sflag:$0x1] =	stream.indirect_vreg.gather [hbm4b:s1+s3], $0x80, v4, vm0, $0xb8;
	[tilespmem:$0x8080] =	vst v63  }
0xe1: {  	_ = 	snop  }
0xe2: {  	[tilespmem:s17], [sflag:$0x1] =	stream.indirect_vreg.gather [hbm4b:s1+s3], $0x80, v3, vm0, $0xb8;
	[tilespmem:$0x8080] =	vst v63  }
0xe3: {  	v3 =	vld [tilespmem:$0x20];
	_ =	sdelay $0x4  }
0xe4: {  	v50 =	vshll.u32 v3, $0x1  }
0xe5: {  	v3 =	vand.u32 $0x7, v3;
	v4 =	vand.u32 $0xFFFFFFF0, v50  }
0xe6: {  	v3 =	vor.u32 v3, v4  }
0xe7: {  	v4 =	vperm.xlane v3, v0;
	_ =	sdelay $0x1  }
0xe8: {  	v3 =	vperm.xlane v3, v2;
	v4 =	vadd.s32 v1, v4;
	_ =	sdelay $0x1  }
0xe9: {  	v3 =	vadd.s32 v1, v3;
	_ =	sdelay $0x2  }
0xea: {  	[tilespmem:s18], [sflag:$0x1] =	stream.indirect_vreg.gather [hbm4b:s1+s3], $0x80, v4, vm0, $0xb8;
	[tilespmem:$0x8080] =	vst v63  }
0xeb: {  	_ = 	snop  }
0xec: {  	[tilespmem:s19], [sflag:$0x1] =	stream.indirect_vreg.gather [hbm4b:s1+s3], $0x80, v3, vm0, $0xb8;
	[tilespmem:$0x8080] =	vst v63  }
0xed: {  	v3 =	vld [tilespmem:$0x30];
	_ =	sdelay $0x4  }
0xee: {  	v51 =	vshll.u32 v3, $0x1  }
0xef: {  	v3 =	vand.u32 $0x7, v3;
	v4 =	vand.u32 $0xFFFFFFF0, v51  }
0xf0: {  	v3 =	vor.u32 v3, v4  }
0xf1: {  	v4 =	vperm.xlane v3, v0;
	_ =	sdelay $0x1  }
0xf2: {  	v3 =	vperm.xlane v3, v2;
	v4 =	vadd.s32 v1, v4;
	_ =	sdelay $0x1  }
0xf3: {  	v3 =	vadd.s32 v1, v3;
	_ =	sdelay $0x2  }
0xf4: {  	[tilespmem:s20], [sflag:$0x1] =	stream.indirect_vreg.gather [hbm4b:s1+s3], $0x80, v4, vm0, $0xb8;
	[tilespmem:$0x8080] =	vst v63  }
0xf5: {  	_ = 	snop  }
0xf6: {  	[tilespmem:s21], [sflag:$0x1] =	stream.indirect_vreg.gather [hbm4b:s1+s3], $0x80, v3, vm0, $0xb8;
	[tilespmem:$0x8080] =	vst v63  }
0xf7: {  	v3 =	vld [tilespmem:$0x40];
	_ =	sdelay $0x4  }
0xf8: {  	v52 =	vshll.u32 v3, $0x1  }
0xf9: {  	v3 =	vand.u32 $0x7, v3;
	v4 =	vand.u32 $0xFFFFFFF0, v52  }
0xfa: {  	v3 =	vor.u32 v3, v4  }
0xfb: {  	v4 =	vperm.xlane v3, v0;
	_ =	sdelay $0x1  }
0xfc: {  	v3 =	vperm.xlane v3, v2;
	v4 =	vadd.s32 v1, v4;
	_ =	sdelay $0x1  }
0xfd: {  	v3 =	vadd.s32 v1, v3;
	_ =	sdelay $0x2  }
0xfe: {  	[tilespmem:s22], [sflag:$0x1] =	stream.indirect_vreg.gather [hbm4b:s1+s3], $0x80, v4, vm0, $0xb8;
	[tilespmem:$0x8080] =	vst v63  }
0xff: {  	_ = 	snop  }
0x100: {  	[tilespmem:s23], [sflag:$0x1] =	stream.indirect_vreg.gather [hbm4b:s1+s3], $0x80, v3, vm0, $0xb8;
	[tilespmem:$0x8080] =	vst v63  }
0x101: {  	v3 =	vld [tilespmem:$0x50];
	_ =	sdelay $0x4  }
0x102: {  	v53 =	vshll.u32 v3, $0x1  }
0x103: {  	v3 =	vand.u32 $0x7, v3;
	v4 =	vand.u32 $0xFFFFFFF0, v53  }
0x104: {  	v3 =	vor.u32 v3, v4  }
0x105: {  	v4 =	vperm.xlane v3, v0;
	_ =	sdelay $0x1  }
0x106: {  	v3 =	vperm.xlane v3, v2;
	v4 =	vadd.s32 v1, v4;
	_ =	sdelay $0x1  }
0x107: {  	v3 =	vadd.s32 v1, v3;
	_ =	sdelay $0x2  }
0x108: {  	[tilespmem:s24], [sflag:$0x1] =	stream.indirect_vreg.gather [hbm4b:s1+s3], $0x80, v4, vm0, $0xb8;
	[tilespmem:$0x8080] =	vst v63  }
0x109: {  	_ = 	snop  }
0x10a: {  	[tilespmem:s25], [sflag:$0x1] =	stream.indirect_vreg.gather [hbm4b:s1+s3], $0x80, v3, vm0, $0xb8;
	[tilespmem:$0x8080] =	vst v63  }
0x10b: {  	v3 =	vld [tilespmem:$0x60];
	_ =	sdelay $0x4  }
0x10c: {  	v54 =	vshll.u32 v3, $0x1  }
0x10d: {  	v3 =	vand.u32 $0x7, v3;
	v4 =	vand.u32 $0xFFFFFFF0, v54  }
0x10e: {  	v3 =	vor.u32 v3, v4  }
0x10f: {  	v4 =	vperm.xlane v3, v0;
	_ =	sdelay $0x1  }
0x110: {  	v3 =	vperm.xlane v3, v2;
	v4 =	vadd.s32 v1, v4;
	_ =	sdelay $0x1  }
0x111: {  	v3 =	vadd.s32 v1, v3;
	_ =	sdelay $0x2  }
0x112: {  	[tilespmem:s26], [sflag:$0x1] =	stream.indirect_vreg.gather [hbm4b:s1+s3], $0x80, v4, vm0, $0xb8;
	[tilespmem:$0x8080] =	vst v63  }
0x113: {  	_ = 	snop  }
0x114: {  	[tilespmem:s28], [sflag:$0x1] =	stream.indirect_vreg.gather [hbm4b:s1+s3], $0x80, v3, vm0, $0xb8;
	[tilespmem:$0x8080] =	vst v63  }
0x115: {  	v3 =	vld [tilespmem:$0x70];
	_ =	sdelay $0x4  }
0x116: {  	v55 =	vshll.u32 v3, $0x1  }
0x117: {  	v3 =	vand.u32 $0x7, v3;
	v4 =	vand.u32 $0xFFFFFFF0, v55  }
0x118: {  	v3 =	vor.u32 v3, v4  }
0x119: {  	v4 =	vperm.xlane v3, v0;
	_ =	sdelay $0x1  }
0x11a: {  	v3 =	vperm.xlane v3, v2;
	v4 =	vadd.s32 v1, v4;
	_ =	sdelay $0x1  }
0x11b: {  	v3 =	vadd.s32 v1, v3;
	_ =	sdelay $0x2  }
0x11c: {  	[tilespmem:s29], [sflag:$0x1] =	stream.indirect_vreg.gather [hbm4b:s1+s3], $0x80, v4, vm0, $0xb8;
	[tilespmem:$0x8080] =	vst v63  }
0x11d: {  	_ = 	snop  }
0x11e: {  	[tilespmem:s30], [sflag:$0x1] =	stream.indirect_vreg.gather [hbm4b:s1+s3], $0x80, v3, vm0, $0xb8;
	[tilespmem:$0x8080] =	vst v63  }
0x11f: {  	_ =	swait.ge [sflag:s31], $0x8000  }
0x120: {  	[sflag:s31] =	ssyncset.done $0x0  }
0x121: {  	[sflag:s31] =	ssyncadd.s32 $0xFFFF8000  }
0x122: {  	[hbm4b:s9+s3] =	stream.linear.scatter [tilespmem:s14], [sflag:$0x2], $0x8000, $0x38;
	[tilespmem:$0x8080] =	vst v63  }
0x123: {  	_ =	swait.ge [sflag:s13], $0x8000  }
0x124: {  	[sflag:s13] =	ssyncset.done $0x0  }
0x125: {  	[sflag:s13] =	ssyncadd.s32 $0xFFFF8000  }
0x126: {  	[tilespmem:s3], [sflag:$0x2] =	stream.linear.gather [hbm4b:s10+s3], $0x80, $0x38;
	[tilespmem:$0x8080] =	vst v63  }
0x127: {  	_ =	swait.ge [sflag:s13], $0x80  }
0x128: {  	[sflag:s13] =	ssyncset.done $0x0  }
0x129: {  	[sflag:s13] =	ssyncadd.s32 $0xFFFFFF80  }
0x12a: {  	v3 =	vld [tilespmem:$0x0];
	_ =	sdelay $0x4  }
0x12b: {  	v56 =	vshll.u32 v3, $0x1  }
0x12c: {  	v3 =	vand.u32 $0x7, v3;
	v4 =	vand.u32 $0xFFFFFFF0, v56  }
0x12d: {  	v3 =	vor.u32 v3, v4  }
0x12e: {  	v4 =	vperm.xlane v3, v0;
	_ =	sdelay $0x1  }
0x12f: {  	v3 =	vperm.xlane v3, v2;
	v4 =	vadd.s32 v1, v4;
	_ =	sdelay $0x1  }
0x130: {  	v3 =	vadd.s32 v1, v3;
	_ =	sdelay $0x2  }
0x131: {  	[tilespmem:s14], [sflag:$0x1] =	stream.indirect_vreg.gather [hbm4b:s1+s3], $0x80, v4, vm0, $0xb8;
	[tilespmem:$0x8080] =	vst v63  }
0x132: {  	_ = 	snop  }
0x133: {  	[tilespmem:s15], [sflag:$0x1] =	stream.indirect_vreg.gather [hbm4b:s1+s3], $0x80, v3, vm0, $0xb8;
	[tilespmem:$0x8080] =	vst v63  }
0x134: {  	v3 =	vld [tilespmem:$0x10];
	_ =	sdelay $0x4  }
0x135: {  	v57 =	vshll.u32 v3, $0x1  }
0x136: {  	v3 =	vand.u32 $0x7, v3;
	v4 =	vand.u32 $0xFFFFFFF0, v57  }
0x137: {  	v3 =	vor.u32 v3, v4  }
0x138: {  	v4 =	vperm.xlane v3, v0;
	_ =	sdelay $0x1  }
0x139: {  	v3 =	vperm.xlane v3, v2;
	v4 =	vadd.s32 v1, v4;
	_ =	sdelay $0x1  }
0x13a: {  	v3 =	vadd.s32 v1, v3;
	_ =	sdelay $0x2  }
0x13b: {  	[tilespmem:s16], [sflag:$0x1] =	stream.indirect_vreg.gather [hbm4b:s1+s3], $0x80, v4, vm0, $0xb8;
	[tilespmem:$0x8080] =	vst v63  }
0x13c: {  	_ = 	snop  }
0x13d: {  	[tilespmem:s17], [sflag:$0x1] =	stream.indirect_vreg.gather [hbm4b:s1+s3], $0x80, v3, vm0, $0xb8;
	[tilespmem:$0x8080] =	vst v63  }
0x13e: {  	v3 =	vld [tilespmem:$0x20];
	_ =	sdelay $0x4  }
0x13f: {  	v58 =	vshll.u32 v3, $0x1  }
0x140: {  	v3 =	vand.u32 $0x7, v3;
	v4 =	vand.u32 $0xFFFFFFF0, v58  }
0x141: {  	v3 =	vor.u32 v3, v4  }
0x142: {  	v4 =	vperm.xlane v3, v0;
	_ =	sdelay $0x1  }
0x143: {  	v3 =	vperm.xlane v3, v2;
	v4 =	vadd.s32 v1, v4;
	_ =	sdelay $0x1  }
0x144: {  	v3 =	vadd.s32 v1, v3;
	_ =	sdelay $0x2  }
0x145: {  	[tilespmem:s18], [sflag:$0x1] =	stream.indirect_vreg.gather [hbm4b:s1+s3], $0x80, v4, vm0, $0xb8;
	[tilespmem:$0x8080] =	vst v63  }
0x146: {  	_ = 	snop  }
0x147: {  	[tilespmem:s19], [sflag:$0x1] =	stream.indirect_vreg.gather [hbm4b:s1+s3], $0x80, v3, vm0, $0xb8;
	[tilespmem:$0x8080] =	vst v63  }
0x148: {  	v3 =	vld [tilespmem:$0x30];
	_ =	sdelay $0x4  }
0x149: {  	v59 =	vshll.u32 v3, $0x1  }
0x14a: {  	v3 =	vand.u32 $0x7, v3;
	v4 =	vand.u32 $0xFFFFFFF0, v59  }
0x14b: {  	v3 =	vor.u32 v3, v4  }
0x14c: {  	v4 =	vperm.xlane v3, v0;
	_ =	sdelay $0x1  }
0x14d: {  	v3 =	vperm.xlane v3, v2;
	v4 =	vadd.s32 v1, v4;
	_ =	sdelay $0x1  }
0x14e: {  	v3 =	vadd.s32 v1, v3;
	_ =	sdelay $0x2  }
0x14f: {  	[tilespmem:s20], [sflag:$0x1] =	stream.indirect_vreg.gather [hbm4b:s1+s3], $0x80, v4, vm0, $0xb8;
	[tilespmem:$0x8080] =	vst v63  }
0x150: {  	_ = 	snop  }
0x151: {  	[tilespmem:s21], [sflag:$0x1] =	stream.indirect_vreg.gather [hbm4b:s1+s3], $0x80, v3, vm0, $0xb8;
	[tilespmem:$0x8080] =	vst v63  }
0x152: {  	v3 =	vld [tilespmem:$0x40];
	_ =	sdelay $0x4  }
0x153: {  	v60 =	vshll.u32 v3, $0x1  }
0x154: {  	v3 =	vand.u32 $0x7, v3;
	v4 =	vand.u32 $0xFFFFFFF0, v60  }
0x155: {  	v3 =	vor.u32 v3, v4  }
0x156: {  	v4 =	vperm.xlane v3, v0;
	_ =	sdelay $0x1  }
0x157: {  	v3 =	vperm.xlane v3, v2;
	v4 =	vadd.s32 v1, v4;
	_ =	sdelay $0x1  }
0x158: {  	v3 =	vadd.s32 v1, v3;
	_ =	sdelay $0x2  }
0x159: {  	[tilespmem:s22], [sflag:$0x1] =	stream.indirect_vreg.gather [hbm4b:s1+s3], $0x80, v4, vm0, $0xb8;
	[tilespmem:$0x8080] =	vst v63  }
0x15a: {  	_ = 	snop  }
0x15b: {  	[tilespmem:s23], [sflag:$0x1] =	stream.indirect_vreg.gather [hbm4b:s1+s3], $0x80, v3, vm0, $0xb8;
	[tilespmem:$0x8080] =	vst v63  }
0x15c: {  	v3 =	vld [tilespmem:$0x50];
	_ =	sdelay $0x4  }
0x15d: {  	v61 =	vshll.u32 v3, $0x1  }
0x15e: {  	v3 =	vand.u32 $0x7, v3;
	v4 =	vand.u32 $0xFFFFFFF0, v61  }
0x15f: {  	v3 =	vor.u32 v3, v4  }
0x160: {  	v4 =	vperm.xlane v3, v0;
	_ =	sdelay $0x1  }
0x161: {  	v3 =	vperm.xlane v3, v2;
	v4 =	vadd.s32 v1, v4;
	_ =	sdelay $0x1  }
0x162: {  	v3 =	vadd.s32 v1, v3;
	_ =	sdelay $0x2  }
0x163: {  	[tilespmem:s24], [sflag:$0x1] =	stream.indirect_vreg.gather [hbm4b:s1+s3], $0x80, v4, vm0, $0xb8;
	[tilespmem:$0x8080] =	vst v63  }
0x164: {  	_ = 	snop  }
0x165: {  	[tilespmem:s25], [sflag:$0x1] =	stream.indirect_vreg.gather [hbm4b:s1+s3], $0x80, v3, vm0, $0xb8;
	[tilespmem:$0x8080] =	vst v63  }
0x166: {  	v3 =	vld [tilespmem:$0x60];
	_ =	sdelay $0x4  }
0x167: {  	v62 =	vshll.u32 v3, $0x1  }
0x168: {  	v3 =	vand.u32 $0x7, v3;
	v4 =	vand.u32 $0xFFFFFFF0, v62  }
0x169: {  	v3 =	vor.u32 v3, v4  }
0x16a: {  	v4 =	vperm.xlane v3, v0;
	_ =	sdelay $0x1  }
0x16b: {  	v3 =	vperm.xlane v3, v2;
	v4 =	vadd.s32 v1, v4;
	_ =	sdelay $0x1  }
0x16c: {  	v3 =	vadd.s32 v1, v3;
	_ =	sdelay $0x2  }
0x16d: {  	[tilespmem:s26], [sflag:$0x1] =	stream.indirect_vreg.gather [hbm4b:s1+s3], $0x80, v4, vm0, $0xb8;
	[tilespmem:$0x8080] =	vst v63  }
0x16e: {  	_ = 	snop  }
0x16f: {  	[tilespmem:s28], [sflag:$0x1] =	stream.indirect_vreg.gather [hbm4b:s1+s3], $0x80, v3, vm0, $0xb8;
	[tilespmem:$0x8080] =	vst v63  }
0x170: {  	v3 =	vld [tilespmem:$0x70];
	_ =	sdelay $0x4  }
0x171: {  	v63 =	vshll.u32 v3, $0x1  }
0x172: {  	v3 =	vand.u32 $0x7, v3;
	v4 =	vand.u32 $0xFFFFFFF0, v63  }
0x173: {  	v3 =	vor.u32 v3, v4  }
0x174: {  	v4 =	vperm.xlane v3, v0;
	_ =	sdelay $0x1  }
0x175: {  	v3 =	vperm.xlane v3, v2;
	v4 =	vadd.s32 v1, v4;
	_ =	sdelay $0x1  }
0x176: {  	v3 =	vadd.s32 v1, v3;
	_ =	sdelay $0x2  }
0x177: {  	[tilespmem:s29], [sflag:$0x1] =	stream.indirect_vreg.gather [hbm4b:s1+s3], $0x80, v4, vm0, $0xb8;
	[tilespmem:$0x8080] =	vst v63  }
0x178: {  	_ = 	snop  }
0x179: {  	[tilespmem:s30], [sflag:$0x1] =	stream.indirect_vreg.gather [hbm4b:s1+s3], $0x80, v3, vm0, $0xb8;
	[tilespmem:$0x8080] =	vst v63  }
0x17a: {  	_ =	swait.ge [sflag:s31], $0x8000  }
0x17b: {  	p0 =	sne.s32 s12, $0x1;
	[sflag:s31] =	ssyncset.done $0x0  }
.Ltmp0:
0x17c: {  	[sflag:s31] =	ssyncadd.s32 $0xFFFF8000;
	(pc) =	sbr.rel @p0 .LBB2_1-.Ltmp0, $4  }
0x17d: {  	[hbm4b:s11+s3] =	stream.linear.scatter [tilespmem:s14], [sflag:$0x2], $0x8000, $0x38;
	[tilespmem:$0x8080] =	vst v63  }
0x17e: {  	_ =	swait.ge [sflag:s13], $0x8000  }
0x17f: {  	[sflag:s13] =	ssyncset.done $0x0  }
0x180: {  	s12 =	sadd.s32 $0xFFFFFFFF, s12;
	[sflag:s13] =	ssyncadd.s32 $0xFFFF8000  }
0x181: {  	_ =	sfence.sel $0x180000  }
0x182: {  	[bflag:$0x0] =	sbarrier.arrive $0xFFFF  }
0x183: {  	p0 =	sne.s32 s2, $0x0;
	_ =	strace $0x90000047  }
0x184: {  	s0 =	sadd.s32 @!p0 $0x100000, s0;
	[bflag:$0x2] =	sbarrier.arrive $0xFFFF  }
0x185: {  	[sflag:s0] =	ssyncadd.tile.s32 @!p0 $0x1;
	_ =	shalt  }
.Lfunc_end2:
_tile_overlayer_lowered:
.L_overlay_start_2:
0x186: {  	(tag) =	ssettag $0x2  }
0x187: {  	s0 =	rddreg [dreg:$0x0];
	s2 =	stileid.u32  }
0x188: {  	s1 =	rddreg [dreg:$0x1];
	p0 =	sne.s32 s2, $0x0  }
0x189: {  	s3 =	rddreg [dreg:$0x2];
	[bflag:$0x3] =	sbarrier.arrive $0xFFFF;
	s2 =	simm.s32 @!p0 $0x1C02  }
0x18a: {  	[timem:s3], [sflag:s2] =	dma.local @!p0 [hbm:s0], s1  }
0x18b: {  	s0 =	simm.s32 @!p0 $0x2  }
0x18c: {  	_ =	swait.ge @!p0 [sflag:s0], s1  }
0x18d: {  	s1 =	ssub.s32 @!p0 $0x0, s1;
	[sflag:s0] =	ssyncset.done @!p0 $0x0  }
0x18e: {  	[sflag:s0] =	ssyncadd.s32 @!p0 s1  }
0x18f: {  	[bflag:$0x3] =	sbarrier.arrive $0xFFFF  }
0x190: {  	_ =	shalt  }

</sc_bundles>
